<compile_context>
chip_gen: v7x
topology: tpu7x:2x2x1
jax: 0.10.2.dev20260603
libtpu: 0.0.44.dev20260713+nightly
codegen_flags: <defaults>
</compile_context>

<pallas_src>
import functools

import jax
import jax.numpy as jnp
from jax import lax
from jax.experimental import pallas as pl
from jax.experimental.pallas import tpu as pltpu
import jax.experimental.pallas.tpu_sc as plsc

N = 10000
E = 320000
D = 128
HID = 128
EPS_LN = 1e-5

NC = 2
NS = 16
EPT = E // NS
C = 128
EPTP = 20736
PADT = EPTP - EPT
NCH = EPTP // C
NP = 10096
RPT = NP // NS
DH = D // 2
NB = 6
G = NB // 2


def _sc_agg_body(h_hbm, src_hbm, dst_hbm, zero_hbm, out_hbm, *sc):
    src_all, dst_all = sc[0], sc[1]
    bufs = sc[2:2 + NB]
    acc = sc[2 + NB]
    gsem = sc[3 + NB:3 + 2 * NB]
    ssem = sc[3 + 2 * NB:3 + 3 * NB]

    c = lax.axis_index("c")
    s = lax.axis_index("s")

    pltpu.sync_copy(src_hbm.at[c, s], src_all)
    pltpu.sync_copy(dst_hbm.at[s], dst_all)

    def gather(j, k):
        return pltpu.make_async_copy(h_hbm.at[src_all.at[j]],
                                     bufs[k], gsem[k])

    for k in range(NB):
        gather(k, k).start()

    plsc.subcore_barrier()
    pltpu.sync_copy(zero_hbm.at[pl.ds(s * RPT, RPT)],
                    acc.at[pl.ds(s * RPT, RPT)])
    plsc.subcore_barrier()

    def body(i, carry):
        j0 = NB * i
        for grp in range(2):
            base = j0 + G * grp
            ks = range(G * grp, G * grp + G)
            for k in ks:
                gather(base + (k - G * grp), k).wait()
            descs = [pltpu.async_copy(
                         bufs[k], acc.at[dst_all.at[base + (k - G * grp)]],
                         ssem[k], add=True)
                     for k in ks]
            for d, k in zip(descs, ks):
                d.wait()
                nxt = base + (k - G * grp) + NB
                @pl.when(nxt < NCH)
                def _(k=k, nxt=nxt):
                    gather(nxt, k).start()
        return carry

    lax.fori_loop(0, NCH // NB, body, 0)

    plsc.subcore_barrier()
    pltpu.sync_copy(acc.at[pl.ds(s * RPT, RPT)],
                    out_hbm.at[c, pl.ds(s * RPT, RPT)])


@functools.lru_cache(maxsize=1)
def _sc_agg_call():
    mesh = plsc.VectorSubcoreMesh(core_axis_name="c", subcore_axis_name="s",
                                  num_cores=NC, num_subcores=NS)
    return pl.kernel(
        _sc_agg_body,
        out_type=jax.ShapeDtypeStruct((NC, NP, DH), jnp.float32),
        mesh=mesh,
        scratch_types=(
            [pltpu.VMEM((NCH, C), jnp.int32),
             pltpu.VMEM((NCH, C), jnp.int32)]
            + [pltpu.VMEM((C, DH), jnp.float32) for _ in range(NB)]
            + [pltpu.VMEM_SHARED((NP, DH), jnp.float32)]
            + [pltpu.SemaphoreType.DMA for _ in range(2 * NB)]
        ),
        compiler_params=pltpu.CompilerParams(use_tc_tiling_on_sc=False),
    )


def _dotT(a, b):
    return lax.dot_general(a, b, (((1,), (1,)), ((), ())),
                           preferred_element_type=jnp.float32)


def _gin_dense(h_ref, p_ref, wa_ref, ba_ref, wb_ref, bb_ref, g_ref, be_ref):
    p_lo = h_ref[0] + p_ref[0]
    p_hi = h_ref[1] + p_ref[1]
    z = jnp.concatenate([p_lo, p_hi], axis=1)
    z = jnp.maximum(_dotT(z, wa_ref[...]) + ba_ref[...], 0.0)
    z = _dotT(z, wb_ref[...]) + bb_ref[...]
    mu = jnp.mean(z, axis=-1, keepdims=True)
    zc = z - mu
    var = jnp.mean(zc * zc, axis=-1, keepdims=True)
    zn = zc * lax.rsqrt(var + EPS_LN) * g_ref[...] + be_ref[...]
    return jnp.maximum(zn, 0.0)


def _mlp_mid_body(h_ref, p_ref, wa_ref, ba_ref, wb_ref, bb_ref,
                  g_ref, be_ref, o_ref):
    h2 = _gin_dense(h_ref, p_ref, wa_ref, ba_ref, wb_ref, bb_ref,
                    g_ref, be_ref)
    o_ref[0] = h2[:, :DH]
    o_ref[1] = h2[:, DH:]


def _mlp_final_body(h_ref, p_ref, wa_ref, ba_ref, wb_ref, bb_ref,
                    g_ref, be_ref, wfc_ref, bfc_ref, o_ref):
    h2 = _gin_dense(h_ref, p_ref, wa_ref, ba_ref, wb_ref, bb_ref,
                    g_ref, be_ref)
    o_ref[...] = jnp.sum(h2 * wfc_ref[...], axis=1, keepdims=True) + bfc_ref[0, 0]


_R = 2000


def _full(shape):
    return pl.BlockSpec(shape, lambda i: tuple(0 for _ in shape))


def _mlp_mid(h, p, wa, ba, wb, bb, g, be):
    return pl.pallas_call(
        _mlp_mid_body,
        grid=(N // _R,),
        in_specs=[
            pl.BlockSpec((2, _R, DH), lambda i: (0, i, 0)),
            pl.BlockSpec((2, _R, DH), lambda i: (0, i, 0)),
            _full((HID, D)), _full((1, HID)),
            _full((HID, HID)), _full((1, HID)),
            _full((1, HID)), _full((1, HID)),
        ],
        out_specs=pl.BlockSpec((2, _R, DH), lambda i: (0, i, 0)),
        out_shape=jax.ShapeDtypeStruct((2, N, DH), jnp.float32),
    )(h, p, wa, ba.reshape(1, HID), wb, bb.reshape(1, HID),
      g.reshape(1, HID), be.reshape(1, HID))


def _mlp_final(h, p, wa, ba, wb, bb, g, be, wfc, bfc):
    out = pl.pallas_call(
        _mlp_final_body,
        grid=(N // _R,),
        in_specs=[
            pl.BlockSpec((2, _R, DH), lambda i: (0, i, 0)),
            pl.BlockSpec((2, _R, DH), lambda i: (0, i, 0)),
            _full((HID, HID)), _full((1, HID)),
            _full((HID, HID)), _full((1, HID)),
            _full((1, HID)), _full((1, HID)),
            _full((1, HID)), _full((1, 1)),
        ],
        out_specs=pl.BlockSpec((_R, 1), lambda i: (i, 0)),
        out_shape=jax.ShapeDtypeStruct((N, 1), jnp.float32),
    )(h, p, wa, ba.reshape(1, HID), wb, bb.reshape(1, HID),
      g.reshape(1, HID), be.reshape(1, HID), wfc, bfc.reshape(1, 1))
    return out.reshape(N)


def kernel(x, edge_index, W1a, b1a, W1b, b1b, g1, beta1,
           W2a, b2a, W2b, b2b, g2, beta2, Wfc, bfc):
    src = edge_index[0].astype(jnp.int32).reshape(NS, EPT)
    dst = edge_index[1].astype(jnp.int32).reshape(NS, EPT)
    pad = jnp.arange(NS * PADT, dtype=jnp.int32).reshape(NS, PADT)
    src = jnp.concatenate([src, (pad * 131) % N], axis=1).reshape(NS, NCH, C)
    dst = jnp.concatenate([dst, N + pad % (NP - N)], axis=1).reshape(NS, NCH, C)
    srcs = jnp.stack([src, src + N])
    zero = jnp.zeros((NP, DH), jnp.float32)
    agg = _sc_agg_call()

    xs = jnp.stack([lax.slice(x, (0, 0), (N, DH)),
                    lax.slice(x, (0, DH), (N, D))])
    p1 = agg(xs.reshape(2 * N, DH), srcs, dst, zero)
    h1 = _mlp_mid(xs, p1, W1a, b1a, W1b, b1b, g1, beta1)
    p2 = agg(h1.reshape(2 * N, DH), srcs, dst, zero)
    return _mlp_final(h1, p2, W2a, b2a, W2b, b2b, g2, beta2, Wfc, bfc)

# --- scband reference (transcript-rebuilt; emitter-appended) ---
"""Pipeline reference for scband-gin-5119601017052 (READ-ONLY COPY).

The authoritative reference and input builder live on the scoring server;
editing this copy changes nothing except your own understanding.
"""

import jax, jax.numpy as jnp
import numpy as np

N = 10000
E = 320000
D = 128
HID = 128
OUT = 1
EPS_LN = 1e-5


def setup_inputs(seed: int = 0) -> dict:
    key = jax.random.key(seed)
    ks = jax.random.split(key, 16)
    x = jax.random.normal(ks[0], (N, D), dtype=jnp.float32)
    edge_index = jax.random.randint(ks[1], (2, E), 0, N, dtype=jnp.int64)
    s = 0.05
    W1a = jax.random.normal(ks[2], (HID, D), dtype=jnp.float32) * s
    b1a = jnp.zeros((HID,), dtype=jnp.float32)
    W1b = jax.random.normal(ks[3], (HID, HID), dtype=jnp.float32) * s
    b1b = jnp.zeros((HID,), dtype=jnp.float32)
    g1 = jnp.ones((HID,), dtype=jnp.float32)
    beta1 = jnp.zeros((HID,), dtype=jnp.float32)
    W2a = jax.random.normal(ks[4], (HID, HID), dtype=jnp.float32) * s
    b2a = jnp.zeros((HID,), dtype=jnp.float32)
    W2b = jax.random.normal(ks[5], (HID, HID), dtype=jnp.float32) * s
    b2b = jnp.zeros((HID,), dtype=jnp.float32)
    g2 = jnp.ones((HID,), dtype=jnp.float32)
    beta2 = jnp.zeros((HID,), dtype=jnp.float32)
    Wfc = jax.random.normal(ks[6], (OUT, HID), dtype=jnp.float32) * s
    bfc = jnp.zeros((OUT,), dtype=jnp.float32)
    return {"x": x, "edge_index": edge_index,
            "W1a": W1a, "b1a": b1a, "W1b": W1b, "b1b": b1b, "g1": g1, "beta1": beta1,
            "W2a": W2a, "b2a": b2a, "W2b": W2b, "b2b": b2b, "g2": g2, "beta2": beta2,
            "Wfc": Wfc, "bfc": bfc}


def _gin_conv(h, src, dst, Wa, ba, Wb, bb):
    # GINConv with eps=0: MLP((1+eps)*x + sum_{j->i} x_j)
    msgs = jnp.take(h, src, axis=0)
    agg = jax.ops.segment_sum(msgs, dst, num_segments=h.shape[0])
    z = h + agg
    z = z @ Wa.T + ba
    z = jax.nn.relu(z)
    z = z @ Wb.T + bb
    return z


def _layer_norm(h, g, b):
    mu = jnp.mean(h, axis=-1, keepdims=True)
    var = jnp.var(h, axis=-1, keepdims=True)
    return (h - mu) / jnp.sqrt(var + EPS_LN) * g + b


def reference(x, edge_index, W1a, b1a, W1b, b1b, g1, beta1,
              W2a, b2a, W2b, b2b, g2, beta2, Wfc, bfc):
    src = edge_index[0]
    dst = edge_index[1]
    h = _gin_conv(x, src, dst, W1a, b1a, W1b, b1b)
    h = _layer_norm(h, g1, beta1)
    h = jax.nn.relu(h)
    # dropout is identity in eval mode
    h = _gin_conv(h, src, dst, W2a, b2a, W2b, b2b)
    h = _layer_norm(h, g2, beta2)
    h = jax.nn.relu(h)
    out = h @ Wfc.T + bfc
    return jnp.squeeze(out, axis=-1)

if __name__ == "__main__":
    import jax
    _d = setup_inputs()
    print(jax.jit(kernel)(*tuple(_d.values())))

</pallas_src>

<mosaic_0001>
#map = affine_map<(d0, d1) -> (0, 0)>
#map1 = affine_map<(d0, d1) -> (0, 0, 0, 0)>
#map2 = affine_map<(d0, d1) -> (0, 0, 0)>
module attributes {stable_mosaic.version = 14 : i64} {
  func.func @_sc_agg_body(%arg0: i32, %arg1: i32, %arg2: memref<20000x64xf32, #tpu.memory_space<hbm>>, %arg3: memref<2x16x162x128xi32, #tpu.memory_space<hbm>>, %arg4: memref<16x162x128xi32, #tpu.memory_space<hbm>>, %arg5: memref<10096x64xf32, #tpu.memory_space<hbm>>, %arg6: memref<2x10096x64xf32, #tpu.memory_space<hbm>>, %arg7: memref<162x128xi32, #tpu.memory_space<vmem>>, %arg8: memref<162x128xi32, #tpu.memory_space<vmem>>, %arg9: memref<128x64xf32, #tpu.memory_space<vmem>>, %arg10: memref<128x64xf32, #tpu.memory_space<vmem>>, %arg11: memref<128x64xf32, #tpu.memory_space<vmem>>, %arg12: memref<128x64xf32, #tpu.memory_space<vmem>>, %arg13: memref<128x64xf32, #tpu.memory_space<vmem>>, %arg14: memref<128x64xf32, #tpu.memory_space<vmem>>, %arg15: memref<10096x64xf32, #tpu.memory_space<vmem_shared>>, %arg16: memref<!tpu.dma_semaphore, #tpu.memory_space<semaphore_mem>>, %arg17: memref<!tpu.dma_semaphore, #tpu.memory_space<semaphore_mem>>, %arg18: memref<!tpu.dma_semaphore, #tpu.memory_space<semaphore_mem>>, %arg19: memref<!tpu.dma_semaphore, #tpu.memory_space<semaphore_mem>>, %arg20: memref<!tpu.dma_semaphore, #tpu.memory_space<semaphore_mem>>, %arg21: memref<!tpu.dma_semaphore, #tpu.memory_space<semaphore_mem>>, %arg22: memref<!tpu.dma_semaphore, #tpu.memory_space<semaphore_mem>>, %arg23: memref<!tpu.dma_semaphore, #tpu.memory_space<semaphore_mem>>, %arg24: memref<!tpu.dma_semaphore, #tpu.memory_space<semaphore_mem>>, %arg25: memref<!tpu.dma_semaphore, #tpu.memory_space<semaphore_mem>>, %arg26: memref<!tpu.dma_semaphore, #tpu.memory_space<semaphore_mem>>, %arg27: memref<!tpu.dma_semaphore, #tpu.memory_space<semaphore_mem>>) attributes {dimension_semantics = [#tpu.dimension_semantics<core_parallel>, #tpu.dimension_semantics<subcore_parallel>], iteration_bounds = array<i64: 2, 16>, scalar_prefetch = 0 : i64, scratch_operands = 21 : i64, tpu.core_type = #tpu.core_type<sc_vector_subcore>, window_params = [{transform_indices = #map}, {transform_indices = #map1}, {transform_indices = #map2}, {transform_indices = #map}, {transform_indices = #map2}]} {
    "tpu.region"() ({
      %run_scoped3A = tpu.sem_alloc : memref<!tpu.dma_semaphore, #tpu.memory_space<semaphore_mem>>
      %dma_start3A_55 = arith.constant 0 : i32
      %dma_start3A_56 = arith.constant 0 : i32
      %dma_start3A_57 = tpu.memref_slice %arg3[%arg0, %arg1, %dma_start3A_55, %dma_start3A_56] : memref<2x16x162x128xi32, #tpu.memory_space<hbm>> -> memref<1x1x162x128xi32, #tpu.memory_space<hbm>>
      %dma_start3A_58 = tpu.memref_squeeze %dma_start3A_57 : memref<1x1x162x128xi32, #tpu.memory_space<hbm>> -> memref<162x128xi32, #tpu.memory_space<hbm>>
      %dma_start3A_59 = arith.constant 0 : i32
      %dma_start3A_60 = arith.constant 0 : i32
      %dma_start3A_61 = tpu.memref_slice %arg3[%arg0, %arg1, %dma_start3A_59, %dma_start3A_60] : memref<2x16x162x128xi32, #tpu.memory_space<hbm>> -> memref<1x1x162x128xi32, #tpu.memory_space<hbm>>
      %dma_start3A_62 = tpu.memref_squeeze %dma_start3A_61 : memref<1x1x162x128xi32, #tpu.memory_space<hbm>> -> memref<162x128xi32, #tpu.memory_space<hbm>>
      tpu.enqueue_dma source(%dma_start3A_62 : memref<162x128xi32, #tpu.memory_space<hbm>>) target(%arg7 : memref<162x128xi32, #tpu.memory_space<vmem>>) target_semaphore(%run_scoped3A : memref<!tpu.dma_semaphore, #tpu.memory_space<semaphore_mem>>)
      %dma_wait3A = arith.constant 0 : i32
      %dma_wait3A_63 = arith.constant 0 : i32
      %dma_wait3A_64 = tpu.memref_slice %arg3[%arg0, %arg1, %dma_wait3A, %dma_wait3A_63] : memref<2x16x162x128xi32, #tpu.memory_space<hbm>> -> memref<1x1x162x128xi32, #tpu.memory_space<hbm>>
      %dma_wait3A_65 = tpu.memref_squeeze %dma_wait3A_64 : memref<1x1x162x128xi32, #tpu.memory_space<hbm>> -> memref<162x128xi32, #tpu.memory_space<hbm>>
      %dma_wait3A_66 = arith.constant 0 : i32
      %dma_wait3A_67 = arith.constant 0 : i32
      %dma_wait3A_68 = tpu.memref_slice %arg3[%arg0, %arg1, %dma_wait3A_66, %dma_wait3A_67] : memref<2x16x162x128xi32, #tpu.memory_space<hbm>> -> memref<1x1x162x128xi32, #tpu.memory_space<hbm>>
      %dma_wait3A_69 = tpu.memref_squeeze %dma_wait3A_68 : memref<1x1x162x128xi32, #tpu.memory_space<hbm>> -> memref<162x128xi32, #tpu.memory_space<hbm>>
      tpu.wait_dma2 semaphore(%run_scoped3A : memref<!tpu.dma_semaphore, #tpu.memory_space<semaphore_mem>>) src(%dma_wait3A_69 : memref<162x128xi32, #tpu.memory_space<hbm>>) dst(%arg7 : memref<162x128xi32, #tpu.memory_space<vmem>>)
      tpu.yield
    }) : () -> ()
    "tpu.region"() ({
      %run_scoped3A = tpu.sem_alloc : memref<!tpu.dma_semaphore, #tpu.memory_space<semaphore_mem>>
      %dma_start3A_55 = arith.constant 0 : i32
      %dma_start3A_56 = arith.constant 0 : i32
      %dma_start3A_57 = tpu.memref_slice %arg4[%arg1, %dma_start3A_55, %dma_start3A_56] : memref<16x162x128xi32, #tpu.memory_space<hbm>> -> memref<1x162x128xi32, #tpu.memory_space<hbm>>
      %dma_start3A_58 = tpu.memref_squeeze %dma_start3A_57 : memref<1x162x128xi32, #tpu.memory_space<hbm>> -> memref<162x128xi32, #tpu.memory_space<hbm>>
      %dma_start3A_59 = arith.constant 0 : i32
      %dma_start3A_60 = arith.constant 0 : i32
      %dma_start3A_61 = tpu.memref_slice %arg4[%arg1, %dma_start3A_59, %dma_start3A_60] : memref<16x162x128xi32, #tpu.memory_space<hbm>> -> memref<1x162x128xi32, #tpu.memory_space<hbm>>
      %dma_start3A_62 = tpu.memref_squeeze %dma_start3A_61 : memref<1x162x128xi32, #tpu.memory_space<hbm>> -> memref<162x128xi32, #tpu.memory_space<hbm>>
      tpu.enqueue_dma source(%dma_start3A_62 : memref<162x128xi32, #tpu.memory_space<hbm>>) target(%arg8 : memref<162x128xi32, #tpu.memory_space<vmem>>) target_semaphore(%run_scoped3A : memref<!tpu.dma_semaphore, #tpu.memory_space<semaphore_mem>>)
      %dma_wait3A = arith.constant 0 : i32
      %dma_wait3A_63 = arith.constant 0 : i32
      %dma_wait3A_64 = tpu.memref_slice %arg4[%arg1, %dma_wait3A, %dma_wait3A_63] : memref<16x162x128xi32, #tpu.memory_space<hbm>> -> memref<1x162x128xi32, #tpu.memory_space<hbm>>
      %dma_wait3A_65 = tpu.memref_squeeze %dma_wait3A_64 : memref<1x162x128xi32, #tpu.memory_space<hbm>> -> memref<162x128xi32, #tpu.memory_space<hbm>>
      %dma_wait3A_66 = arith.constant 0 : i32
      %dma_wait3A_67 = arith.constant 0 : i32
      %dma_wait3A_68 = tpu.memref_slice %arg4[%arg1, %dma_wait3A_66, %dma_wait3A_67] : memref<16x162x128xi32, #tpu.memory_space<hbm>> -> memref<1x162x128xi32, #tpu.memory_space<hbm>>
      %dma_wait3A_69 = tpu.memref_squeeze %dma_wait3A_68 : memref<1x162x128xi32, #tpu.memory_space<hbm>> -> memref<162x128xi32, #tpu.memory_space<hbm>>
      tpu.wait_dma2 semaphore(%run_scoped3A : memref<!tpu.dma_semaphore, #tpu.memory_space<semaphore_mem>>) src(%dma_wait3A_69 : memref<162x128xi32, #tpu.memory_space<hbm>>) dst(%arg8 : memref<162x128xi32, #tpu.memory_space<vmem>>)
      tpu.yield
    }) : () -> ()
    %dma_start3A = arith.constant 0 : i32
    %dma_start3A_0 = arith.constant 0 : i32
    %dma_start3A_1 = tpu.memref_slice %arg7[%dma_start3A, %dma_start3A_0] : memref<162x128xi32, #tpu.memory_space<vmem>> -> memref<1x128xi32, #tpu.memory_space<vmem>>
    %dma_start3A_2 = tpu.memref_squeeze %dma_start3A_1 : memref<1x128xi32, #tpu.memory_space<vmem>> -> memref<128xi32, #tpu.memory_space<vmem>>
    %dma_start3A_3 = arith.constant 0 : i32
    %dma_start3A_4 = arith.constant 0 : i32
    %dma_start3A_5 = tpu.memref_slice %arg2[%dma_start3A_3, %dma_start3A_4] : memref<20000x64xf32, #tpu.memory_space<hbm>> -> memref<20000x64xf32, #tpu.memory_space<hbm>>
    tpu.enqueue_indirect_dma source(%dma_start3A_5 : memref<20000x64xf32, #tpu.memory_space<hbm>>) target(%arg9 : memref<128x64xf32, #tpu.memory_space<vmem>>) offsets(%dma_start3A_2 : memref<128xi32, #tpu.memory_space<vmem>>) semaphore(%arg16 : memref<!tpu.dma_semaphore, #tpu.memory_space<semaphore_mem>>)
    %dma_start3A_6 = arith.constant 1 : i32
    %dma_start3A_7 = arith.constant 0 : i32
    %dma_start3A_8 = tpu.memref_slice %arg7[%dma_start3A_6, %dma_start3A_7] : memref<162x128xi32, #tpu.memory_space<vmem>> -> memref<1x128xi32, #tpu.memory_space<vmem>>
    %dma_start3A_9 = tpu.memref_squeeze %dma_start3A_8 : memref<1x128xi32, #tpu.memory_space<vmem>> -> memref<128xi32, #tpu.memory_space<vmem>>
    %dma_start3A_10 = arith.constant 0 : i32
    %dma_start3A_11 = arith.constant 0 : i32
    %dma_start3A_12 = tpu.memref_slice %arg2[%dma_start3A_10, %dma_start3A_11] : memref<20000x64xf32, #tpu.memory_space<hbm>> -> memref<20000x64xf32, #tpu.memory_space<hbm>>
    tpu.enqueue_indirect_dma source(%dma_start3A_12 : memref<20000x64xf32, #tpu.memory_space<hbm>>) target(%arg10 : memref<128x64xf32, #tpu.memory_space<vmem>>) offsets(%dma_start3A_9 : memref<128xi32, #tpu.memory_space<vmem>>) semaphore(%arg17 : memref<!tpu.dma_semaphore, #tpu.memory_space<semaphore_mem>>)
    %dma_start3A_13 = arith.constant 2 : i32
    %dma_start3A_14 = arith.constant 0 : i32
    %dma_start3A_15 = tpu.memref_slice %arg7[%dma_start3A_13, %dma_start3A_14] : memref<162x128xi32, #tpu.memory_space<vmem>> -> memref<1x128xi32, #tpu.memory_space<vmem>>
    %dma_start3A_16 = tpu.memref_squeeze %dma_start3A_15 : memref<1x128xi32, #tpu.memory_space<vmem>> -> memref<128xi32, #tpu.memory_space<vmem>>
    %dma_start3A_17 = arith.constant 0 : i32
    %dma_start3A_18 = arith.constant 0 : i32
    %dma_start3A_19 = tpu.memref_slice %arg2[%dma_start3A_17, %dma_start3A_18] : memref<20000x64xf32, #tpu.memory_space<hbm>> -> memref<20000x64xf32, #tpu.memory_space<hbm>>
    tpu.enqueue_indirect_dma source(%dma_start3A_19 : memref<20000x64xf32, #tpu.memory_space<hbm>>) target(%arg11 : memref<128x64xf32, #tpu.memory_space<vmem>>) offsets(%dma_start3A_16 : memref<128xi32, #tpu.memory_space<vmem>>) semaphore(%arg18 : memref<!tpu.dma_semaphore, #tpu.memory_space<semaphore_mem>>)
    %dma_start3A_20 = arith.constant 3 : i32
    %dma_start3A_21 = arith.constant 0 : i32
    %dma_start3A_22 = tpu.memref_slice %arg7[%dma_start3A_20, %dma_start3A_21] : memref<162x128xi32, #tpu.memory_space<vmem>> -> memref<1x128xi32, #tpu.memory_space<vmem>>
    %dma_start3A_23 = tpu.memref_squeeze %dma_start3A_22 : memref<1x128xi32, #tpu.memory_space<vmem>> -> memref<128xi32, #tpu.memory_space<vmem>>
    %dma_start3A_24 = arith.constant 0 : i32
    %dma_start3A_25 = arith.constant 0 : i32
    %dma_start3A_26 = tpu.memref_slice %arg2[%dma_start3A_24, %dma_start3A_25] : memref<20000x64xf32, #tpu.memory_space<hbm>> -> memref<20000x64xf32, #tpu.memory_space<hbm>>
    tpu.enqueue_indirect_dma source(%dma_start3A_26 : memref<20000x64xf32, #tpu.memory_space<hbm>>) target(%arg12 : memref<128x64xf32, #tpu.memory_space<vmem>>) offsets(%dma_start3A_23 : memref<128xi32, #tpu.memory_space<vmem>>) semaphore(%arg19 : memref<!tpu.dma_semaphore, #tpu.memory_space<semaphore_mem>>)
    %dma_start3A_27 = arith.constant 4 : i32
    %dma_start3A_28 = arith.constant 0 : i32
    %dma_start3A_29 = tpu.memref_slice %arg7[%dma_start3A_27, %dma_start3A_28] : memref<162x128xi32, #tpu.memory_space<vmem>> -> memref<1x128xi32, #tpu.memory_space<vmem>>
    %dma_start3A_30 = tpu.memref_squeeze %dma_start3A_29 : memref<1x128xi32, #tpu.memory_space<vmem>> -> memref<128xi32, #tpu.memory_space<vmem>>
    %dma_start3A_31 = arith.constant 0 : i32
    %dma_start3A_32 = arith.constant 0 : i32
    %dma_start3A_33 = tpu.memref_slice %arg2[%dma_start3A_31, %dma_start3A_32] : memref<20000x64xf32, #tpu.memory_space<hbm>> -> memref<20000x64xf32, #tpu.memory_space<hbm>>
    tpu.enqueue_indirect_dma source(%dma_start3A_33 : memref<20000x64xf32, #tpu.memory_space<hbm>>) target(%arg13 : memref<128x64xf32, #tpu.memory_space<vmem>>) offsets(%dma_start3A_30 : memref<128xi32, #tpu.memory_space<vmem>>) semaphore(%arg20 : memref<!tpu.dma_semaphore, #tpu.memory_space<semaphore_mem>>)
    %dma_start3A_34 = arith.constant 5 : i32
    %dma_start3A_35 = arith.constant 0 : i32
    %dma_start3A_36 = tpu.memref_slice %arg7[%dma_start3A_34, %dma_start3A_35] : memref<162x128xi32, #tpu.memory_space<vmem>> -> memref<1x128xi32, #tpu.memory_space<vmem>>
    %dma_start3A_37 = tpu.memref_squeeze %dma_start3A_36 : memref<1x128xi32, #tpu.memory_space<vmem>> -> memref<128xi32, #tpu.memory_space<vmem>>
    %dma_start3A_38 = arith.constant 0 : i32
    %dma_start3A_39 = arith.constant 0 : i32
    %dma_start3A_40 = tpu.memref_slice %arg2[%dma_start3A_38, %dma_start3A_39] : memref<20000x64xf32, #tpu.memory_space<hbm>> -> memref<20000x64xf32, #tpu.memory_space<hbm>>
    tpu.enqueue_indirect_dma source(%dma_start3A_40 : memref<20000x64xf32, #tpu.memory_space<hbm>>) target(%arg14 : memref<128x64xf32, #tpu.memory_space<vmem>>) offsets(%dma_start3A_37 : memref<128xi32, #tpu.memory_space<vmem>>) semaphore(%arg21 : memref<!tpu.dma_semaphore, #tpu.memory_space<semaphore_mem>>)
    %barrier3A = arith.constant 0 : index
    tpu.barrier barrier_id(%barrier3A)
    %mul3A = arith.constant 631 : i32
    %mul3A_41 = arith.muli %arg1, %mul3A : i32
    %mul3A_42 = arith.constant 631 : i32
    %mul3A_43 = arith.muli %arg1, %mul3A_42 : i32
    "tpu.region"() ({
      %run_scoped3A = tpu.sem_alloc : memref<!tpu.dma_semaphore, #tpu.memory_space<semaphore_mem>>
      %dma_start3A_55 = arith.constant 0 : i32
      %dma_start3A_56 = tpu.memref_slice %arg15[%mul3A_43, %dma_start3A_55] : memref<10096x64xf32, #tpu.memory_space<vmem_shared>> -> memref<631x64xf32, #tpu.memory_space<vmem_shared>>
      %dma_start3A_57 = arith.constant 0 : i32
      %dma_start3A_58 = tpu.memref_slice %arg5[%mul3A_41, %dma_start3A_57] : memref<10096x64xf32, #tpu.memory_space<hbm>> -> memref<631x64xf32, #tpu.memory_space<hbm>>
      tpu.enqueue_dma source(%dma_start3A_58 : memref<631x64xf32, #tpu.memory_space<hbm>>) target(%dma_start3A_56 : memref<631x64xf32, #tpu.memory_space<vmem_shared>>) target_semaphore(%run_scoped3A : memref<!tpu.dma_semaphore, #tpu.memory_space<semaphore_mem>>)
      %dma_wait3A = arith.constant 0 : i32
      %dma_wait3A_59 = tpu.memref_slice %arg15[%mul3A_43, %dma_wait3A] : memref<10096x64xf32, #tpu.memory_space<vmem_shared>> -> memref<631x64xf32, #tpu.memory_space<vmem_shared>>
      %dma_wait3A_60 = arith.constant 0 : i32
      %dma_wait3A_61 = tpu.memref_slice %arg5[%mul3A_41, %dma_wait3A_60] : memref<10096x64xf32, #tpu.memory_space<hbm>> -> memref<631x64xf32, #tpu.memory_space<hbm>>
      tpu.wait_dma2 semaphore(%run_scoped3A : memref<!tpu.dma_semaphore, #tpu.memory_space<semaphore_mem>>) src(%dma_wait3A_61 : memref<631x64xf32, #tpu.memory_space<hbm>>) dst(%dma_wait3A_59 : memref<631x64xf32, #tpu.memory_space<vmem_shared>>)
      tpu.yield
    }) : () -> ()
    %barrier3A_44 = arith.constant 0 : index
    tpu.barrier barrier_id(%barrier3A_44)
    %scan3A = arith.constant 0 : i32
    %scan3A_45 = arith.constant 0 : i32
    %scan3A_46 = arith.constant 27 : i32
    %scan3A_47 = arith.addi %scan3A_45, %scan3A_46 : i32
    %scan3A_48 = arith.constant 1 : i32
    scf.for %scan3A_55 = %scan3A_45 to %scan3A_47 step %scan3A_48  : i32 {
      %mul3A_56 = arith.constant 6 : i32
      %mul3A_57 = arith.muli %mul3A_56, %scan3A_55 : i32
      %add3A = arith.constant 0 : i32
      %add3A_58 = arith.addi %mul3A_57, %add3A : i32
      %add3A_59 = arith.constant 0 : i32
      %add3A_60 = arith.addi %add3A_58, %add3A_59 : i32
      %dma_wait3A = arith.constant 0 : i32
      %dma_wait3A_61 = tpu.memref_slice %arg7[%add3A_60, %dma_wait3A] : memref<162x128xi32, #tpu.memory_space<vmem>> -> memref<1x128xi32, #tpu.memory_space<vmem>>
      %dma_wait3A_62 = tpu.memref_squeeze %dma_wait3A_61 : memref<1x128xi32, #tpu.memory_space<vmem>> -> memref<128xi32, #tpu.memory_space<vmem>>
      %dma_wait3A_63 = arith.constant 0 : i32
      %dma_wait3A_64 = arith.constant 0 : i32
      %dma_wait3A_65 = tpu.memref_slice %arg2[%dma_wait3A_63, %dma_wait3A_64] : memref<20000x64xf32, #tpu.memory_space<hbm>> -> memref<20000x64xf32, #tpu.memory_space<hbm>>
      tpu.wait_indirect_dma semaphore(%arg16 : memref<!tpu.dma_semaphore, #tpu.memory_space<semaphore_mem>>) src(%dma_wait3A_65 : memref<20000x64xf32, #tpu.memory_space<hbm>>) dst(%arg9 : memref<128x64xf32, #tpu.memory_space<vmem>>)
      %add3A_66 = arith.constant 1 : i32
      %add3A_67 = arith.addi %add3A_58, %add3A_66 : i32
      %dma_wait3A_68 = arith.constant 0 : i32
      %dma_wait3A_69 = tpu.memref_slice %arg7[%add3A_67, %dma_wait3A_68] : memref<162x128xi32, #tpu.memory_space<vmem>> -> memref<1x128xi32, #tpu.memory_space<vmem>>
      %dma_wait3A_70 = tpu.memref_squeeze %dma_wait3A_69 : memref<1x128xi32, #tpu.memory_space<vmem>> -> memref<128xi32, #tpu.memory_space<vmem>>
      %dma_wait3A_71 = arith.constant 0 : i32
      %dma_wait3A_72 = arith.constant 0 : i32
      %dma_wait3A_73 = tpu.memref_slice %arg2[%dma_wait3A_71, %dma_wait3A_72] : memref<20000x64xf32, #tpu.memory_space<hbm>> -> memref<20000x64xf32, #tpu.memory_space<hbm>>
      tpu.wait_indirect_dma semaphore(%arg17 : memref<!tpu.dma_semaphore, #tpu.memory_space<semaphore_mem>>) src(%dma_wait3A_73 : memref<20000x64xf32, #tpu.memory_space<hbm>>) dst(%arg10 : memref<128x64xf32, #tpu.memory_space<vmem>>)
      %add3A_74 = arith.constant 2 : i32
      %add3A_75 = arith.addi %add3A_58, %add3A_74 : i32
      %dma_wait3A_76 = arith.constant 0 : i32
      %dma_wait3A_77 = tpu.memref_slice %arg7[%add3A_75, %dma_wait3A_76] : memref<162x128xi32, #tpu.memory_space<vmem>> -> memref<1x128xi32, #tpu.memory_space<vmem>>
      %dma_wait3A_78 = tpu.memref_squeeze %dma_wait3A_77 : memref<1x128xi32, #tpu.memory_space<vmem>> -> memref<128xi32, #tpu.memory_space<vmem>>
      %dma_wait3A_79 = arith.constant 0 : i32
      %dma_wait3A_80 = arith.constant 0 : i32
      %dma_wait3A_81 = tpu.memref_slice %arg2[%dma_wait3A_79, %dma_wait3A_80] : memref<20000x64xf32, #tpu.memory_space<hbm>> -> memref<20000x64xf32, #tpu.memory_space<hbm>>
      tpu.wait_indirect_dma semaphore(%arg18 : memref<!tpu.dma_semaphore, #tpu.memory_space<semaphore_mem>>) src(%dma_wait3A_81 : memref<20000x64xf32, #tpu.memory_space<hbm>>) dst(%arg11 : memref<128x64xf32, #tpu.memory_space<vmem>>)
      %add3A_82 = arith.constant 0 : i32
      %add3A_83 = arith.addi %add3A_58, %add3A_82 : i32
      %dma_start3A_84 = arith.constant 0 : i32
      %dma_start3A_85 = tpu.memref_slice %arg8[%add3A_83, %dma_start3A_84] : memref<162x128xi32, #tpu.memory_space<vmem>> -> memref<1x128xi32, #tpu.memory_space<vmem>>
      %dma_start3A_86 = tpu.memref_squeeze %dma_start3A_85 : memref<1x128xi32, #tpu.memory_space<vmem>> -> memref<128xi32, #tpu.memory_space<vmem>>
      %dma_start3A_87 = arith.constant 0 : i32
      %dma_start3A_88 = arith.constant 0 : i32
      %dma_start3A_89 = tpu.memref_slice %arg15[%dma_start3A_87, %dma_start3A_88] : memref<10096x64xf32, #tpu.memory_space<vmem_shared>> -> memref<10096x64xf32, #tpu.memory_space<vmem_shared>>
      tpu.enqueue_indirect_dma source(%arg9 : memref<128x64xf32, #tpu.memory_space<vmem>>) target(%dma_start3A_89 : memref<10096x64xf32, #tpu.memory_space<vmem_shared>>) offsets(%dma_start3A_86 : memref<128xi32, #tpu.memory_space<vmem>>) semaphore(%arg22 : memref<!tpu.dma_semaphore, #tpu.memory_space<semaphore_mem>>) {add = true}
      %add3A_90 = arith.constant 1 : i32
      %add3A_91 = arith.addi %add3A_58, %add3A_90 : i32
      %dma_start3A_92 = arith.constant 0 : i32
      %dma_start3A_93 = tpu.memref_slice %arg8[%add3A_91, %dma_start3A_92] : memref<162x128xi32, #tpu.memory_space<vmem>> -> memref<1x128xi32, #tpu.memory_space<vmem>>
      %dma_start3A_94 = tpu.memref_squeeze %dma_start3A_93 : memref<1x128xi32, #tpu.memory_space<vmem>> -> memref<128xi32, #tpu.memory_space<vmem>>
      %dma_start3A_95 = arith.constant 0 : i32
      %dma_start3A_96 = arith.constant 0 : i32
      %dma_start3A_97 = tpu.memref_slice %arg15[%dma_start3A_95, %dma_start3A_96] : memref<10096x64xf32, #tpu.memory_space<vmem_shared>> -> memref<10096x64xf32, #tpu.memory_space<vmem_shared>>
      tpu.enqueue_indirect_dma source(%arg10 : memref<128x64xf32, #tpu.memory_space<vmem>>) target(%dma_start3A_97 : memref<10096x64xf32, #tpu.memory_space<vmem_shared>>) offsets(%dma_start3A_94 : memref<128xi32, #tpu.memory_space<vmem>>) semaphore(%arg23 : memref<!tpu.dma_semaphore, #tpu.memory_space<semaphore_mem>>) {add = true}
      %add3A_98 = arith.constant 2 : i32
      %add3A_99 = arith.addi %add3A_58, %add3A_98 : i32
      %dma_start3A_100 = arith.constant 0 : i32
      %dma_start3A_101 = tpu.memref_slice %arg8[%add3A_99, %dma_start3A_100] : memref<162x128xi32, #tpu.memory_space<vmem>> -> memref<1x128xi32, #tpu.memory_space<vmem>>
      %dma_start3A_102 = tpu.memref_squeeze %dma_start3A_101 : memref<1x128xi32, #tpu.memory_space<vmem>> -> memref<128xi32, #tpu.memory_space<vmem>>
      %dma_start3A_103 = arith.constant 0 : i32
      %dma_start3A_104 = arith.constant 0 : i32
      %dma_start3A_105 = tpu.memref_slice %arg15[%dma_start3A_103, %dma_start3A_104] : memref<10096x64xf32, #tpu.memory_space<vmem_shared>> -> memref<10096x64xf32, #tpu.memory_space<vmem_shared>>
      tpu.enqueue_indirect_dma source(%arg11 : memref<128x64xf32, #tpu.memory_space<vmem>>) target(%dma_start3A_105 : memref<10096x64xf32, #tpu.memory_space<vmem_shared>>) offsets(%dma_start3A_102 : memref<128xi32, #tpu.memory_space<vmem>>) semaphore(%arg24 : memref<!tpu.dma_semaphore, #tpu.memory_space<semaphore_mem>>) {add = true}
      %dma_wait3A_106 = arith.constant 0 : i32
      %dma_wait3A_107 = tpu.memref_slice %arg8[%add3A_83, %dma_wait3A_106] : memref<162x128xi32, #tpu.memory_space<vmem>> -> memref<1x128xi32, #tpu.memory_space<vmem>>
      %dma_wait3A_108 = tpu.memref_squeeze %dma_wait3A_107 : memref<1x128xi32, #tpu.memory_space<vmem>> -> memref<128xi32, #tpu.memory_space<vmem>>
      %dma_wait3A_109 = arith.constant 0 : i32
      %dma_wait3A_110 = arith.constant 0 : i32
      %dma_wait3A_111 = tpu.memref_slice %arg15[%dma_wait3A_109, %dma_wait3A_110] : memref<10096x64xf32, #tpu.memory_space<vmem_shared>> -> memref<10096x64xf32, #tpu.memory_space<vmem_shared>>
      tpu.wait_indirect_dma semaphore(%arg22 : memref<!tpu.dma_semaphore, #tpu.memory_space<semaphore_mem>>) src(%arg9 : memref<128x64xf32, #tpu.memory_space<vmem>>) dst(%dma_wait3A_111 : memref<10096x64xf32, #tpu.memory_space<vmem_shared>>)
      %add3A_112 = arith.constant 0 : i32
      %add3A_113 = arith.addi %add3A_58, %add3A_112 : i32
      %add3A_114 = arith.constant 6 : i32
      %add3A_115 = arith.addi %add3A_113, %add3A_114 : i32
      %lt3A = arith.constant 162 : i32
      %lt3A_116 = arith.cmpi slt, %add3A_115, %lt3A : i32
      %convert_element_type3A = arith.extui %lt3A_116 : i1 to i32
      %cond3A = arith.constant 0 : i32
      %cond3A_117 = arith.cmpi ne, %convert_element_type3A, %cond3A : i32
      scf.if %cond3A_117 {
        %dma_start3A_243 = arith.constant 0 : i32
        %dma_start3A_244 = tpu.memref_slice %arg7[%add3A_115, %dma_start3A_243] : memref<162x128xi32, #tpu.memory_space<vmem>> -> memref<1x128xi32, #tpu.memory_space<vmem>>
        %dma_start3A_245 = tpu.memref_squeeze %dma_start3A_244 : memref<1x128xi32, #tpu.memory_space<vmem>> -> memref<128xi32, #tpu.memory_space<vmem>>
        %dma_start3A_246 = arith.constant 0 : i32
        %dma_start3A_247 = arith.constant 0 : i32
        %dma_start3A_248 = tpu.memref_slice %arg2[%dma_start3A_246, %dma_start3A_247] : memref<20000x64xf32, #tpu.memory_space<hbm>> -> memref<20000x64xf32, #tpu.memory_space<hbm>>
        tpu.enqueue_indirect_dma source(%dma_start3A_248 : memref<20000x64xf32, #tpu.memory_space<hbm>>) target(%arg9 : memref<128x64xf32, #tpu.memory_space<vmem>>) offsets(%dma_start3A_245 : memref<128xi32, #tpu.memory_space<vmem>>) semaphore(%arg16 : memref<!tpu.dma_semaphore, #tpu.memory_space<semaphore_mem>>)
      } else {
      }
      %dma_wait3A_118 = arith.constant 0 : i32
      %dma_wait3A_119 = tpu.memref_slice %arg8[%add3A_91, %dma_wait3A_118] : memref<162x128xi32, #tpu.memory_space<vmem>> -> memref<1x128xi32, #tpu.memory_space<vmem>>
      %dma_wait3A_120 = tpu.memref_squeeze %dma_wait3A_119 : memref<1x128xi32, #tpu.memory_space<vmem>> -> memref<128xi32, #tpu.memory_space<vmem>>
      %dma_wait3A_121 = arith.constant 0 : i32
      %dma_wait3A_122 = arith.constant 0 : i32
      %dma_wait3A_123 = tpu.memref_slice %arg15[%dma_wait3A_121, %dma_wait3A_122] : memref<10096x64xf32, #tpu.memory_space<vmem_shared>> -> memref<10096x64xf32, #tpu.memory_space<vmem_shared>>
      tpu.wait_indirect_dma semaphore(%arg23 : memref<!tpu.dma_semaphore, #tpu.memory_space<semaphore_mem>>) src(%arg10 : memref<128x64xf32, #tpu.memory_space<vmem>>) dst(%dma_wait3A_123 : memref<10096x64xf32, #tpu.memory_space<vmem_shared>>)
      %add3A_124 = arith.constant 1 : i32
      %add3A_125 = arith.addi %add3A_58, %add3A_124 : i32
      %add3A_126 = arith.constant 6 : i32
      %add3A_127 = arith.addi %add3A_125, %add3A_126 : i32
      %lt3A_128 = arith.constant 162 : i32
      %lt3A_129 = arith.cmpi slt, %add3A_127, %lt3A_128 : i32
      %convert_element_type3A_130 = arith.extui %lt3A_129 : i1 to i32
      %cond3A_131 = arith.constant 0 : i32
      %cond3A_132 = arith.cmpi ne, %convert_element_type3A_130, %cond3A_131 : i32
      scf.if %cond3A_132 {
        %dma_start3A_243 = arith.constant 0 : i32
        %dma_start3A_244 = tpu.memref_slice %arg7[%add3A_127, %dma_start3A_243] : memref<162x128xi32, #tpu.memory_space<vmem>> -> memref<1x128xi32, #tpu.memory_space<vmem>>
        %dma_start3A_245 = tpu.memref_squeeze %dma_start3A_244 : memref<1x128xi32, #tpu.memory_space<vmem>> -> memref<128xi32, #tpu.memory_space<vmem>>
        %dma_start3A_246 = arith.constant 0 : i32
        %dma_start3A_247 = arith.constant 0 : i32
        %dma_start3A_248 = tpu.memref_slice %arg2[%dma_start3A_246, %dma_start3A_247] : memref<20000x64xf32, #tpu.memory_space<hbm>> -> memref<20000x64xf32, #tpu.memory_space<hbm>>
        tpu.enqueue_indirect_dma source(%dma_start3A_248 : memref<20000x64xf32, #tpu.memory_space<hbm>>) target(%arg10 : memref<128x64xf32, #tpu.memory_space<vmem>>) offsets(%dma_start3A_245 : memref<128xi32, #tpu.memory_space<vmem>>) semaphore(%arg17 : memref<!tpu.dma_semaphore, #tpu.memory_space<semaphore_mem>>)
      } else {
      }
      %dma_wait3A_133 = arith.constant 0 : i32
      %dma_wait3A_134 = tpu.memref_slice %arg8[%add3A_99, %dma_wait3A_133] : memref<162x128xi32, #tpu.memory_space<vmem>> -> memref<1x128xi32, #tpu.memory_space<vmem>>
      %dma_wait3A_135 = tpu.memref_squeeze %dma_wait3A_134 : memref<1x128xi32, #tpu.memory_space<vmem>> -> memref<128xi32, #tpu.memory_space<vmem>>
      %dma_wait3A_136 = arith.constant 0 : i32
      %dma_wait3A_137 = arith.constant 0 : i32
      %dma_wait3A_138 = tpu.memref_slice %arg15[%dma_wait3A_136, %dma_wait3A_137] : memref<10096x64xf32, #tpu.memory_space<vmem_shared>> -> memref<10096x64xf32, #tpu.memory_space<vmem_shared>>
      tpu.wait_indirect_dma semaphore(%arg24 : memref<!tpu.dma_semaphore, #tpu.memory_space<semaphore_mem>>) src(%arg11 : memref<128x64xf32, #tpu.memory_space<vmem>>) dst(%dma_wait3A_138 : memref<10096x64xf32, #tpu.memory_space<vmem_shared>>)
      %add3A_139 = arith.constant 2 : i32
      %add3A_140 = arith.addi %add3A_58, %add3A_139 : i32
      %add3A_141 = arith.constant 6 : i32
      %add3A_142 = arith.addi %add3A_140, %add3A_141 : i32
      %lt3A_143 = arith.constant 162 : i32
      %lt3A_144 = arith.cmpi slt, %add3A_142, %lt3A_143 : i32
      %convert_element_type3A_145 = arith.extui %lt3A_144 : i1 to i32
      %cond3A_146 = arith.constant 0 : i32
      %cond3A_147 = arith.cmpi ne, %convert_element_type3A_145, %cond3A_146 : i32
      scf.if %cond3A_147 {
        %dma_start3A_243 = arith.constant 0 : i32
        %dma_start3A_244 = tpu.memref_slice %arg7[%add3A_142, %dma_start3A_243] : memref<162x128xi32, #tpu.memory_space<vmem>> -> memref<1x128xi32, #tpu.memory_space<vmem>>
        %dma_start3A_245 = tpu.memref_squeeze %dma_start3A_244 : memref<1x128xi32, #tpu.memory_space<vmem>> -> memref<128xi32, #tpu.memory_space<vmem>>
        %dma_start3A_246 = arith.constant 0 : i32
        %dma_start3A_247 = arith.constant 0 : i32
        %dma_start3A_248 = tpu.memref_slice %arg2[%dma_start3A_246, %dma_start3A_247] : memref<20000x64xf32, #tpu.memory_space<hbm>> -> memref<20000x64xf32, #tpu.memory_space<hbm>>
        tpu.enqueue_indirect_dma source(%dma_start3A_248 : memref<20000x64xf32, #tpu.memory_space<hbm>>) target(%arg11 : memref<128x64xf32, #tpu.memory_space<vmem>>) offsets(%dma_start3A_245 : memref<128xi32, #tpu.memory_space<vmem>>) semaphore(%arg18 : memref<!tpu.dma_semaphore, #tpu.memory_space<semaphore_mem>>)
      } else {
      }
      %add3A_148 = arith.constant 3 : i32
      %add3A_149 = arith.addi %mul3A_57, %add3A_148 : i32
      %add3A_150 = arith.constant 0 : i32
      %add3A_151 = arith.addi %add3A_149, %add3A_150 : i32
      %dma_wait3A_152 = arith.constant 0 : i32
      %dma_wait3A_153 = tpu.memref_slice %arg7[%add3A_151, %dma_wait3A_152] : memref<162x128xi32, #tpu.memory_space<vmem>> -> memref<1x128xi32, #tpu.memory_space<vmem>>
      %dma_wait3A_154 = tpu.memref_squeeze %dma_wait3A_153 : memref<1x128xi32, #tpu.memory_space<vmem>> -> memref<128xi32, #tpu.memory_space<vmem>>
      %dma_wait3A_155 = arith.constant 0 : i32
      %dma_wait3A_156 = arith.constant 0 : i32
      %dma_wait3A_157 = tpu.memref_slice %arg2[%dma_wait3A_155, %dma_wait3A_156] : memref<20000x64xf32, #tpu.memory_space<hbm>> -> memref<20000x64xf32, #tpu.memory_space<hbm>>
      tpu.wait_indirect_dma semaphore(%arg19 : memref<!tpu.dma_semaphore, #tpu.memory_space<semaphore_mem>>) src(%dma_wait3A_157 : memref<20000x64xf32, #tpu.memory_space<hbm>>) dst(%arg12 : memref<128x64xf32, #tpu.memory_space<vmem>>)
      %add3A_158 = arith.constant 1 : i32
      %add3A_159 = arith.addi %add3A_149, %add3A_158 : i32
      %dma_wait3A_160 = arith.constant 0 : i32
      %dma_wait3A_161 = tpu.memref_slice %arg7[%add3A_159, %dma_wait3A_160] : memref<162x128xi32, #tpu.memory_space<vmem>> -> memref<1x128xi32, #tpu.memory_space<vmem>>
      %dma_wait3A_162 = tpu.memref_squeeze %dma_wait3A_161 : memref<1x128xi32, #tpu.memory_space<vmem>> -> memref<128xi32, #tpu.memory_space<vmem>>
      %dma_wait3A_163 = arith.constant 0 : i32
      %dma_wait3A_164 = arith.constant 0 : i32
      %dma_wait3A_165 = tpu.memref_slice %arg2[%dma_wait3A_163, %dma_wait3A_164] : memref<20000x64xf32, #tpu.memory_space<hbm>> -> memref<20000x64xf32, #tpu.memory_space<hbm>>
      tpu.wait_indirect_dma semaphore(%arg20 : memref<!tpu.dma_semaphore, #tpu.memory_space<semaphore_mem>>) src(%dma_wait3A_165 : memref<20000x64xf32, #tpu.memory_space<hbm>>) dst(%arg13 : memref<128x64xf32, #tpu.memory_space<vmem>>)
      %add3A_166 = arith.constant 2 : i32
      %add3A_167 = arith.addi %add3A_149, %add3A_166 : i32
      %dma_wait3A_168 = arith.constant 0 : i32
      %dma_wait3A_169 = tpu.memref_slice %arg7[%add3A_167, %dma_wait3A_168] : memref<162x128xi32, #tpu.memory_space<vmem>> -> memref<1x128xi32, #tpu.memory_space<vmem>>
      %dma_wait3A_170 = tpu.memref_squeeze %dma_wait3A_169 : memref<1x128xi32, #tpu.memory_space<vmem>> -> memref<128xi32, #tpu.memory_space<vmem>>
      %dma_wait3A_171 = arith.constant 0 : i32
      %dma_wait3A_172 = arith.constant 0 : i32
      %dma_wait3A_173 = tpu.memref_slice %arg2[%dma_wait3A_171, %dma_wait3A_172] : memref<20000x64xf32, #tpu.memory_space<hbm>> -> memref<20000x64xf32, #tpu.memory_space<hbm>>
      tpu.wait_indirect_dma semaphore(%arg21 : memref<!tpu.dma_semaphore, #tpu.memory_space<semaphore_mem>>) src(%dma_wait3A_173 : memref<20000x64xf32, #tpu.memory_space<hbm>>) dst(%arg14 : memref<128x64xf32, #tpu.memory_space<vmem>>)
      %add3A_174 = arith.constant 0 : i32
      %add3A_175 = arith.addi %add3A_149, %add3A_174 : i32
      %dma_start3A_176 = arith.constant 0 : i32
      %dma_start3A_177 = tpu.memref_slice %arg8[%add3A_175, %dma_start3A_176] : memref<162x128xi32, #tpu.memory_space<vmem>> -> memref<1x128xi32, #tpu.memory_space<vmem>>
      %dma_start3A_178 = tpu.memref_squeeze %dma_start3A_177 : memref<1x128xi32, #tpu.memory_space<vmem>> -> memref<128xi32, #tpu.memory_space<vmem>>
      %dma_start3A_179 = arith.constant 0 : i32
      %dma_start3A_180 = arith.constant 0 : i32
      %dma_start3A_181 = tpu.memref_slice %arg15[%dma_start3A_179, %dma_start3A_180] : memref<10096x64xf32, #tpu.memory_space<vmem_shared>> -> memref<10096x64xf32, #tpu.memory_space<vmem_shared>>
      tpu.enqueue_indirect_dma source(%arg12 : memref<128x64xf32, #tpu.memory_space<vmem>>) target(%dma_start3A_181 : memref<10096x64xf32, #tpu.memory_space<vmem_shared>>) offsets(%dma_start3A_178 : memref<128xi32, #tpu.memory_space<vmem>>) semaphore(%arg25 : memref<!tpu.dma_semaphore, #tpu.memory_space<semaphore_mem>>) {add = true}
      %add3A_182 = arith.constant 1 : i32
      %add3A_183 = arith.addi %add3A_149, %add3A_182 : i32
      %dma_start3A_184 = arith.constant 0 : i32
      %dma_start3A_185 = tpu.memref_slice %arg8[%add3A_183, %dma_start3A_184] : memref<162x128xi32, #tpu.memory_space<vmem>> -> memref<1x128xi32, #tpu.memory_space<vmem>>
      %dma_start3A_186 = tpu.memref_squeeze %dma_start3A_185 : memref<1x128xi32, #tpu.memory_space<vmem>> -> memref<128xi32, #tpu.memory_space<vmem>>
      %dma_start3A_187 = arith.constant 0 : i32
      %dma_start3A_188 = arith.constant 0 : i32
      %dma_start3A_189 = tpu.memref_slice %arg15[%dma_start3A_187, %dma_start3A_188] : memref<10096x64xf32, #tpu.memory_space<vmem_shared>> -> memref<10096x64xf32, #tpu.memory_space<vmem_shared>>
      tpu.enqueue_indirect_dma source(%arg13 : memref<128x64xf32, #tpu.memory_space<vmem>>) target(%dma_start3A_189 : memref<10096x64xf32, #tpu.memory_space<vmem_shared>>) offsets(%dma_start3A_186 : memref<128xi32, #tpu.memory_space<vmem>>) semaphore(%arg26 : memref<!tpu.dma_semaphore, #tpu.memory_space<semaphore_mem>>) {add = true}
      %add3A_190 = arith.constant 2 : i32
      %add3A_191 = arith.addi %add3A_149, %add3A_190 : i32
      %dma_start3A_192 = arith.constant 0 : i32
      %dma_start3A_193 = tpu.memref_slice %arg8[%add3A_191, %dma_start3A_192] : memref<162x128xi32, #tpu.memory_space<vmem>> -> memref<1x128xi32, #tpu.memory_space<vmem>>
      %dma_start3A_194 = tpu.memref_squeeze %dma_start3A_193 : memref<1x128xi32, #tpu.memory_space<vmem>> -> memref<128xi32, #tpu.memory_space<vmem>>
      %dma_start3A_195 = arith.constant 0 : i32
      %dma_start3A_196 = arith.constant 0 : i32
      %dma_start3A_197 = tpu.memref_slice %arg15[%dma_start3A_195, %dma_start3A_196] : memref<10096x64xf32, #tpu.memory_space<vmem_shared>> -> memref<10096x64xf32, #tpu.memory_space<vmem_shared>>
      tpu.enqueue_indirect_dma source(%arg14 : memref<128x64xf32, #tpu.memory_space<vmem>>) target(%dma_start3A_197 : memref<10096x64xf32, #tpu.memory_space<vmem_shared>>) offsets(%dma_start3A_194 : memref<128xi32, #tpu.memory_space<vmem>>) semaphore(%arg27 : memref<!tpu.dma_semaphore, #tpu.memory_space<semaphore_mem>>) {add = true}
      %dma_wait3A_198 = arith.constant 0 : i32
      %dma_wait3A_199 = tpu.memref_slice %arg8[%add3A_175, %dma_wait3A_198] : memref<162x128xi32, #tpu.memory_space<vmem>> -> memref<1x128xi32, #tpu.memory_space<vmem>>
      %dma_wait3A_200 = tpu.memref_squeeze %dma_wait3A_199 : memref<1x128xi32, #tpu.memory_space<vmem>> -> memref<128xi32, #tpu.memory_space<vmem>>
      %dma_wait3A_201 = arith.constant 0 : i32
      %dma_wait3A_202 = arith.constant 0 : i32
      %dma_wait3A_203 = tpu.memref_slice %arg15[%dma_wait3A_201, %dma_wait3A_202] : memref<10096x64xf32, #tpu.memory_space<vmem_shared>> -> memref<10096x64xf32, #tpu.memory_space<vmem_shared>>
      tpu.wait_indirect_dma semaphore(%arg25 : memref<!tpu.dma_semaphore, #tpu.memory_space<semaphore_mem>>) src(%arg12 : memref<128x64xf32, #tpu.memory_space<vmem>>) dst(%dma_wait3A_203 : memref<10096x64xf32, #tpu.memory_space<vmem_shared>>)
      %add3A_204 = arith.constant 0 : i32
      %add3A_205 = arith.addi %add3A_149, %add3A_204 : i32
      %add3A_206 = arith.constant 6 : i32
      %add3A_207 = arith.addi %add3A_205, %add3A_206 : i32
      %lt3A_208 = arith.constant 162 : i32
      %lt3A_209 = arith.cmpi slt, %add3A_207, %lt3A_208 : i32
      %convert_element_type3A_210 = arith.extui %lt3A_209 : i1 to i32
      %cond3A_211 = arith.constant 0 : i32
      %cond3A_212 = arith.cmpi ne, %convert_element_type3A_210, %cond3A_211 : i32
      scf.if %cond3A_212 {
        %dma_start3A_243 = arith.constant 0 : i32
        %dma_start3A_244 = tpu.memref_slice %arg7[%add3A_207, %dma_start3A_243] : memref<162x128xi32, #tpu.memory_space<vmem>> -> memref<1x128xi32, #tpu.memory_space<vmem>>
        %dma_start3A_245 = tpu.memref_squeeze %dma_start3A_244 : memref<1x128xi32, #tpu.memory_space<vmem>> -> memref<128xi32, #tpu.memory_space<vmem>>
        %dma_start3A_246 = arith.constant 0 : i32
        %dma_start3A_247 = arith.constant 0 : i32
        %dma_start3A_248 = tpu.memref_slice %arg2[%dma_start3A_246, %dma_start3A_247] : memref<20000x64xf32, #tpu.memory_space<hbm>> -> memref<20000x64xf32, #tpu.memory_space<hbm>>
        tpu.enqueue_indirect_dma source(%dma_start3A_248 : memref<20000x64xf32, #tpu.memory_space<hbm>>) target(%arg12 : memref<128x64xf32, #tpu.memory_space<vmem>>) offsets(%dma_start3A_245 : memref<128xi32, #tpu.memory_space<vmem>>) semaphore(%arg19 : memref<!tpu.dma_semaphore, #tpu.memory_space<semaphore_mem>>)
      } else {
      }
      %dma_wait3A_213 = arith.constant 0 : i32
      %dma_wait3A_214 = tpu.memref_slice %arg8[%add3A_183, %dma_wait3A_213] : memref<162x128xi32, #tpu.memory_space<vmem>> -> memref<1x128xi32, #tpu.memory_space<vmem>>
      %dma_wait3A_215 = tpu.memref_squeeze %dma_wait3A_214 : memref<1x128xi32, #tpu.memory_space<vmem>> -> memref<128xi32, #tpu.memory_space<vmem>>
      %dma_wait3A_216 = arith.constant 0 : i32
      %dma_wait3A_217 = arith.constant 0 : i32
      %dma_wait3A_218 = tpu.memref_slice %arg15[%dma_wait3A_216, %dma_wait3A_217] : memref<10096x64xf32, #tpu.memory_space<vmem_shared>> -> memref<10096x64xf32, #tpu.memory_space<vmem_shared>>
      tpu.wait_indirect_dma semaphore(%arg26 : memref<!tpu.dma_semaphore, #tpu.memory_space<semaphore_mem>>) src(%arg13 : memref<128x64xf32, #tpu.memory_space<vmem>>) dst(%dma_wait3A_218 : memref<10096x64xf32, #tpu.memory_space<vmem_shared>>)
      %add3A_219 = arith.constant 1 : i32
      %add3A_220 = arith.addi %add3A_149, %add3A_219 : i32
      %add3A_221 = arith.constant 6 : i32
      %add3A_222 = arith.addi %add3A_220, %add3A_221 : i32
      %lt3A_223 = arith.constant 162 : i32
      %lt3A_224 = arith.cmpi slt, %add3A_222, %lt3A_223 : i32
      %convert_element_type3A_225 = arith.extui %lt3A_224 : i1 to i32
      %cond3A_226 = arith.constant 0 : i32
      %cond3A_227 = arith.cmpi ne, %convert_element_type3A_225, %cond3A_226 : i32
      scf.if %cond3A_227 {
        %dma_start3A_243 = arith.constant 0 : i32
        %dma_start3A_244 = tpu.memref_slice %arg7[%add3A_222, %dma_start3A_243] : memref<162x128xi32, #tpu.memory_space<vmem>> -> memref<1x128xi32, #tpu.memory_space<vmem>>
        %dma_start3A_245 = tpu.memref_squeeze %dma_start3A_244 : memref<1x128xi32, #tpu.memory_space<vmem>> -> memref<128xi32, #tpu.memory_space<vmem>>
        %dma_start3A_246 = arith.constant 0 : i32
        %dma_start3A_247 = arith.constant 0 : i32
        %dma_start3A_248 = tpu.memref_slice %arg2[%dma_start3A_246, %dma_start3A_247] : memref<20000x64xf32, #tpu.memory_space<hbm>> -> memref<20000x64xf32, #tpu.memory_space<hbm>>
        tpu.enqueue_indirect_dma source(%dma_start3A_248 : memref<20000x64xf32, #tpu.memory_space<hbm>>) target(%arg13 : memref<128x64xf32, #tpu.memory_space<vmem>>) offsets(%dma_start3A_245 : memref<128xi32, #tpu.memory_space<vmem>>) semaphore(%arg20 : memref<!tpu.dma_semaphore, #tpu.memory_space<semaphore_mem>>)
      } else {
      }
      %dma_wait3A_228 = arith.constant 0 : i32
      %dma_wait3A_229 = tpu.memref_slice %arg8[%add3A_191, %dma_wait3A_228] : memref<162x128xi32, #tpu.memory_space<vmem>> -> memref<1x128xi32, #tpu.memory_space<vmem>>
      %dma_wait3A_230 = tpu.memref_squeeze %dma_wait3A_229 : memref<1x128xi32, #tpu.memory_space<vmem>> -> memref<128xi32, #tpu.memory_space<vmem>>
      %dma_wait3A_231 = arith.constant 0 : i32
      %dma_wait3A_232 = arith.constant 0 : i32
      %dma_wait3A_233 = tpu.memref_slice %arg15[%dma_wait3A_231, %dma_wait3A_232] : memref<10096x64xf32, #tpu.memory_space<vmem_shared>> -> memref<10096x64xf32, #tpu.memory_space<vmem_shared>>
      tpu.wait_indirect_dma semaphore(%arg27 : memref<!tpu.dma_semaphore, #tpu.memory_space<semaphore_mem>>) src(%arg14 : memref<128x64xf32, #tpu.memory_space<vmem>>) dst(%dma_wait3A_233 : memref<10096x64xf32, #tpu.memory_space<vmem_shared>>)
      %add3A_234 = arith.constant 2 : i32
      %add3A_235 = arith.addi %add3A_149, %add3A_234 : i32
      %add3A_236 = arith.constant 6 : i32
      %add3A_237 = arith.addi %add3A_235, %add3A_236 : i32
      %lt3A_238 = arith.constant 162 : i32
      %lt3A_239 = arith.cmpi slt, %add3A_237, %lt3A_238 : i32
      %convert_element_type3A_240 = arith.extui %lt3A_239 : i1 to i32
      %cond3A_241 = arith.constant 0 : i32
      %cond3A_242 = arith.cmpi ne, %convert_element_type3A_240, %cond3A_241 : i32
      scf.if %cond3A_242 {
        %dma_start3A_243 = arith.constant 0 : i32
        %dma_start3A_244 = tpu.memref_slice %arg7[%add3A_237, %dma_start3A_243] : memref<162x128xi32, #tpu.memory_space<vmem>> -> memref<1x128xi32, #tpu.memory_space<vmem>>
        %dma_start3A_245 = tpu.memref_squeeze %dma_start3A_244 : memref<1x128xi32, #tpu.memory_space<vmem>> -> memref<128xi32, #tpu.memory_space<vmem>>
        %dma_start3A_246 = arith.constant 0 : i32
        %dma_start3A_247 = arith.constant 0 : i32
        %dma_start3A_248 = tpu.memref_slice %arg2[%dma_start3A_246, %dma_start3A_247] : memref<20000x64xf32, #tpu.memory_space<hbm>> -> memref<20000x64xf32, #tpu.memory_space<hbm>>
        tpu.enqueue_indirect_dma source(%dma_start3A_248 : memref<20000x64xf32, #tpu.memory_space<hbm>>) target(%arg14 : memref<128x64xf32, #tpu.memory_space<vmem>>) offsets(%dma_start3A_245 : memref<128xi32, #tpu.memory_space<vmem>>) semaphore(%arg21 : memref<!tpu.dma_semaphore, #tpu.memory_space<semaphore_mem>>)
      } else {
      }
    }
    %scan3A_49 = arith.constant 27 : i32
    %barrier3A_50 = arith.constant 0 : index
    tpu.barrier barrier_id(%barrier3A_50)
    %mul3A_51 = arith.constant 631 : i32
    %mul3A_52 = arith.muli %arg1, %mul3A_51 : i32
    %mul3A_53 = arith.constant 631 : i32
    %mul3A_54 = arith.muli %arg1, %mul3A_53 : i32
    "tpu.region"() ({
      %run_scoped3A = tpu.sem_alloc : memref<!tpu.dma_semaphore, #tpu.memory_space<semaphore_mem>>
      %dma_start3A_55 = arith.constant 0 : i32
      %dma_start3A_56 = tpu.memref_slice %arg6[%arg0, %mul3A_54, %dma_start3A_55] : memref<2x10096x64xf32, #tpu.memory_space<hbm>> -> memref<1x631x64xf32, #tpu.memory_space<hbm>>
      %dma_start3A_57 = tpu.memref_squeeze %dma_start3A_56 : memref<1x631x64xf32, #tpu.memory_space<hbm>> -> memref<631x64xf32, #tpu.memory_space<hbm>>
      %dma_start3A_58 = arith.constant 0 : i32
      %dma_start3A_59 = tpu.memref_slice %arg15[%mul3A_52, %dma_start3A_58] : memref<10096x64xf32, #tpu.memory_space<vmem_shared>> -> memref<631x64xf32, #tpu.memory_space<vmem_shared>>
      tpu.enqueue_dma source(%dma_start3A_59 : memref<631x64xf32, #tpu.memory_space<vmem_shared>>) target(%dma_start3A_57 : memref<631x64xf32, #tpu.memory_space<hbm>>) target_semaphore(%run_scoped3A : memref<!tpu.dma_semaphore, #tpu.memory_space<semaphore_mem>>)
      %dma_wait3A = arith.constant 0 : i32
      %dma_wait3A_60 = tpu.memref_slice %arg6[%arg0, %mul3A_54, %dma_wait3A] : memref<2x10096x64xf32, #tpu.memory_space<hbm>> -> memref<1x631x64xf32, #tpu.memory_space<hbm>>
      %dma_wait3A_61 = tpu.memref_squeeze %dma_wait3A_60 : memref<1x631x64xf32, #tpu.memory_space<hbm>> -> memref<631x64xf32, #tpu.memory_space<hbm>>
      %dma_wait3A_62 = arith.constant 0 : i32
      %dma_wait3A_63 = tpu.memref_slice %arg15[%mul3A_52, %dma_wait3A_62] : memref<10096x64xf32, #tpu.memory_space<vmem_shared>> -> memref<631x64xf32, #tpu.memory_space<vmem_shared>>
      tpu.wait_dma2 semaphore(%run_scoped3A : memref<!tpu.dma_semaphore, #tpu.memory_space<semaphore_mem>>) src(%dma_wait3A_63 : memref<631x64xf32, #tpu.memory_space<vmem_shared>>) dst(%dma_wait3A_61 : memref<631x64xf32, #tpu.memory_space<hbm>>)
      tpu.yield
    }) : () -> ()
    return
  }
}

#map = affine_map<(d0, d1) -> (0, 0)>
#map1 = affine_map<(d0, d1) -> (0, 0, 0, 0)>
#map2 = affine_map<(d0, d1) -> (0, 0, 0)>
module attributes {stable_mosaic.version = 14 : i64} {
  func.func @_sc_agg_body(%arg0: i32, %arg1: i32, %arg2: memref<20000x64xf32, #tpu.memory_space<hbm>>, %arg3: memref<2x16x162x128xi32, #tpu.memory_space<hbm>>, %arg4: memref<16x162x128xi32, #tpu.memory_space<hbm>>, %arg5: memref<10096x64xf32, #tpu.memory_space<hbm>>, %arg6: memref<2x10096x64xf32, #tpu.memory_space<hbm>>, %arg7: memref<162x128xi32, #tpu.memory_space<vmem>>, %arg8: memref<162x128xi32, #tpu.memory_space<vmem>>, %arg9: memref<128x64xf32, #tpu.memory_space<vmem>>, %arg10: memref<128x64xf32, #tpu.memory_space<vmem>>, %arg11: memref<128x64xf32, #tpu.memory_space<vmem>>, %arg12: memref<128x64xf32, #tpu.memory_space<vmem>>, %arg13: memref<128x64xf32, #tpu.memory_space<vmem>>, %arg14: memref<128x64xf32, #tpu.memory_space<vmem>>, %arg15: memref<10096x64xf32, #tpu.memory_space<vmem_shared>>, %arg16: memref<!tpu.dma_semaphore, #tpu.memory_space<semaphore_mem>>, %arg17: memref<!tpu.dma_semaphore, #tpu.memory_space<semaphore_mem>>, %arg18: memref<!tpu.dma_semaphore, #tpu.memory_space<semaphore_mem>>, %arg19: memref<!tpu.dma_semaphore, #tpu.memory_space<semaphore_mem>>, %arg20: memref<!tpu.dma_semaphore, #tpu.memory_space<semaphore_mem>>, %arg21: memref<!tpu.dma_semaphore, #tpu.memory_space<semaphore_mem>>, %arg22: memref<!tpu.dma_semaphore, #tpu.memory_space<semaphore_mem>>, %arg23: memref<!tpu.dma_semaphore, #tpu.memory_space<semaphore_mem>>, %arg24: memref<!tpu.dma_semaphore, #tpu.memory_space<semaphore_mem>>, %arg25: memref<!tpu.dma_semaphore, #tpu.memory_space<semaphore_mem>>, %arg26: memref<!tpu.dma_semaphore, #tpu.memory_space<semaphore_mem>>, %arg27: memref<!tpu.dma_semaphore, #tpu.memory_space<semaphore_mem>>) attributes {dimension_semantics = [#tpu.dimension_semantics<core_parallel>, #tpu.dimension_semantics<subcore_parallel>], iteration_bounds = array<i64: 2, 16>, scalar_prefetch = 0 : i64, scratch_operands = 21 : i64, tpu.core_type = #tpu.core_type<sc_vector_subcore>, window_params = [{transform_indices = #map}, {transform_indices = #map1}, {transform_indices = #map2}, {transform_indices = #map}, {transform_indices = #map2}]} {
    "tpu.region"() ({
      %run_scoped3A = tpu.sem_alloc : memref<!tpu.dma_semaphore, #tpu.memory_space<semaphore_mem>>
      %dma_start3A_55 = arith.constant 0 : i32
      %dma_start3A_56 = arith.constant 0 : i32
      %dma_start3A_57 = tpu.memref_slice %arg3[%arg0, %arg1, %dma_start3A_55, %dma_start3A_56] : memref<2x16x162x128xi32, #tpu.memory_space<hbm>> -> memref<1x1x162x128xi32, #tpu.memory_space<hbm>>
      %dma_start3A_58 = tpu.memref_squeeze %dma_start3A_57 : memref<1x1x162x128xi32, #tpu.memory_space<hbm>> -> memref<162x128xi32, #tpu.memory_space<hbm>>
      %dma_start3A_59 = arith.constant 0 : i32
      %dma_start3A_60 = arith.constant 0 : i32
      %dma_start3A_61 = tpu.memref_slice %arg3[%arg0, %arg1, %dma_start3A_59, %dma_start3A_60] : memref<2x16x162x128xi32, #tpu.memory_space<hbm>> -> memref<1x1x162x128xi32, #tpu.memory_space<hbm>>
      %dma_start3A_62 = tpu.memref_squeeze %dma_start3A_61 : memref<1x1x162x128xi32, #tpu.memory_space<hbm>> -> memref<162x128xi32, #tpu.memory_space<hbm>>
      tpu.enqueue_dma source(%dma_start3A_62 : memref<162x128xi32, #tpu.memory_space<hbm>>) target(%arg7 : memref<162x128xi32, #tpu.memory_space<vmem>>) target_semaphore(%run_scoped3A : memref<!tpu.dma_semaphore, #tpu.memory_space<semaphore_mem>>)
      %dma_wait3A = arith.constant 0 : i32
      %dma_wait3A_63 = arith.constant 0 : i32
      %dma_wait3A_64 = tpu.memref_slice %arg3[%arg0, %arg1, %dma_wait3A, %dma_wait3A_63] : memref<2x16x162x128xi32, #tpu.memory_space<hbm>> -> memref<1x1x162x128xi32, #tpu.memory_space<hbm>>
      %dma_wait3A_65 = tpu.memref_squeeze %dma_wait3A_64 : memref<1x1x162x128xi32, #tpu.memory_space<hbm>> -> memref<162x128xi32, #tpu.memory_space<hbm>>
      %dma_wait3A_66 = arith.constant 0 : i32
      %dma_wait3A_67 = arith.constant 0 : i32
      %dma_wait3A_68 = tpu.memref_slice %arg3[%arg0, %arg1, %dma_wait3A_66, %dma_wait3A_67] : memref<2x16x162x128xi32, #tpu.memory_space<hbm>> -> memref<1x1x162x128xi32, #tpu.memory_space<hbm>>
      %dma_wait3A_69 = tpu.memref_squeeze %dma_wait3A_68 : memref<1x1x162x128xi32, #tpu.memory_space<hbm>> -> memref<162x128xi32, #tpu.memory_space<hbm>>
      tpu.wait_dma2 semaphore(%run_scoped3A : memref<!tpu.dma_semaphore, #tpu.memory_space<semaphore_mem>>) src(%dma_wait3A_69 : memref<162x128xi32, #tpu.memory_space<hbm>>) dst(%arg7 : memref<162x128xi32, #tpu.memory_space<vmem>>)
      tpu.yield
    }) : () -> ()
    "tpu.region"() ({
      %run_scoped3A = tpu.sem_alloc : memref<!tpu.dma_semaphore, #tpu.memory_space<semaphore_mem>>
      %dma_start3A_55 = arith.constant 0 : i32
      %dma_start3A_56 = arith.constant 0 : i32
      %dma_start3A_57 = tpu.memref_slice %arg4[%arg1, %dma_start3A_55, %dma_start3A_56] : memref<16x162x128xi32, #tpu.memory_space<hbm>> -> memref<1x162x128xi32, #tpu.memory_space<hbm>>
      %dma_start3A_58 = tpu.memref_squeeze %dma_start3A_57 : memref<1x162x128xi32, #tpu.memory_space<hbm>> -> memref<162x128xi32, #tpu.memory_space<hbm>>
      %dma_start3A_59 = arith.constant 0 : i32
      %dma_start3A_60 = arith.constant 0 : i32
      %dma_start3A_61 = tpu.memref_slice %arg4[%arg1, %dma_start3A_59, %dma_start3A_60] : memref<16x162x128xi32, #tpu.memory_space<hbm>> -> memref<1x162x128xi32, #tpu.memory_space<hbm>>
      %dma_start3A_62 = tpu.memref_squeeze %dma_start3A_61 : memref<1x162x128xi32, #tpu.memory_space<hbm>> -> memref<162x128xi32, #tpu.memory_space<hbm>>
      tpu.enqueue_dma source(%dma_start3A_62 : memref<162x128xi32, #tpu.memory_space<hbm>>) target(%arg8 : memref<162x128xi32, #tpu.memory_space<vmem>>) target_semaphore(%run_scoped3A : memref<!tpu.dma_semaphore, #tpu.memory_space<semaphore_mem>>)
      %dma_wait3A = arith.constant 0 : i32
      %dma_wait3A_63 = arith.constant 0 : i32
      %dma_wait3A_64 = tpu.memref_slice %arg4[%arg1, %dma_wait3A, %dma_wait3A_63] : memref<16x162x128xi32, #tpu.memory_space<hbm>> -> memref<1x162x128xi32, #tpu.memory_space<hbm>>
      %dma_wait3A_65 = tpu.memref_squeeze %dma_wait3A_64 : memref<1x162x128xi32, #tpu.memory_space<hbm>> -> memref<162x128xi32, #tpu.memory_space<hbm>>
      %dma_wait3A_66 = arith.constant 0 : i32
      %dma_wait3A_67 = arith.constant 0 : i32
      %dma_wait3A_68 = tpu.memref_slice %arg4[%arg1, %dma_wait3A_66, %dma_wait3A_67] : memref<16x162x128xi32, #tpu.memory_space<hbm>> -> memref<1x162x128xi32, #tpu.memory_space<hbm>>
      %dma_wait3A_69 = tpu.memref_squeeze %dma_wait3A_68 : memref<1x162x128xi32, #tpu.memory_space<hbm>> -> memref<162x128xi32, #tpu.memory_space<hbm>>
      tpu.wait_dma2 semaphore(%run_scoped3A : memref<!tpu.dma_semaphore, #tpu.memory_space<semaphore_mem>>) src(%dma_wait3A_69 : memref<162x128xi32, #tpu.memory_space<hbm>>) dst(%arg8 : memref<162x128xi32, #tpu.memory_space<vmem>>)
      tpu.yield
    }) : () -> ()
    %dma_start3A = arith.constant 0 : i32
    %dma_start3A_0 = arith.constant 0 : i32
    %dma_start3A_1 = tpu.memref_slice %arg7[%dma_start3A, %dma_start3A_0] : memref<162x128xi32, #tpu.memory_space<vmem>> -> memref<1x128xi32, #tpu.memory_space<vmem>>
    %dma_start3A_2 = tpu.memref_squeeze %dma_start3A_1 : memref<1x128xi32, #tpu.memory_space<vmem>> -> memref<128xi32, #tpu.memory_space<vmem>>
    %dma_start3A_3 = arith.constant 0 : i32
    %dma_start3A_4 = arith.constant 0 : i32
    %dma_start3A_5 = tpu.memref_slice %arg2[%dma_start3A_3, %dma_start3A_4] : memref<20000x64xf32, #tpu.memory_space<hbm>> -> memref<20000x64xf32, #tpu.memory_space<hbm>>
    tpu.enqueue_indirect_dma source(%dma_start3A_5 : memref<20000x64xf32, #tpu.memory_space<hbm>>) target(%arg9 : memref<128x64xf32, #tpu.memory_space<vmem>>) offsets(%dma_start3A_2 : memref<128xi32, #tpu.memory_space<vmem>>) semaphore(%arg16 : memref<!tpu.dma_semaphore, #tpu.memory_space<semaphore_mem>>)
    %dma_start3A_6 = arith.constant 1 : i32
    %dma_start3A_7 = arith.constant 0 : i32
    %dma_start3A_8 = tpu.memref_slice %arg7[%dma_start3A_6, %dma_start3A_7] : memref<162x128xi32, #tpu.memory_space<vmem>> -> memref<1x128xi32, #tpu.memory_space<vmem>>
    %dma_start3A_9 = tpu.memref_squeeze %dma_start3A_8 : memref<1x128xi32, #tpu.memory_space<vmem>> -> memref<128xi32, #tpu.memory_space<vmem>>
    %dma_start3A_10 = arith.constant 0 : i32
    %dma_start3A_11 = arith.constant 0 : i32
    %dma_start3A_12 = tpu.memref_slice %arg2[%dma_start3A_10, %dma_start3A_11] : memref<20000x64xf32, #tpu.memory_space<hbm>> -> memref<20000x64xf32, #tpu.memory_space<hbm>>
    tpu.enqueue_indirect_dma source(%dma_start3A_12 : memref<20000x64xf32, #tpu.memory_space<hbm>>) target(%arg10 : memref<128x64xf32, #tpu.memory_space<vmem>>) offsets(%dma_start3A_9 : memref<128xi32, #tpu.memory_space<vmem>>) semaphore(%arg17 : memref<!tpu.dma_semaphore, #tpu.memory_space<semaphore_mem>>)
    %dma_start3A_13 = arith.constant 2 : i32
    %dma_start3A_14 = arith.constant 0 : i32
    %dma_start3A_15 = tpu.memref_slice %arg7[%dma_start3A_13, %dma_start3A_14] : memref<162x128xi32, #tpu.memory_space<vmem>> -> memref<1x128xi32, #tpu.memory_space<vmem>>
    %dma_start3A_16 = tpu.memref_squeeze %dma_start3A_15 : memref<1x128xi32, #tpu.memory_space<vmem>> -> memref<128xi32, #tpu.memory_space<vmem>>
    %dma_start3A_17 = arith.constant 0 : i32
    %dma_start3A_18 = arith.constant 0 : i32
    %dma_start3A_19 = tpu.memref_slice %arg2[%dma_start3A_17, %dma_start3A_18] : memref<20000x64xf32, #tpu.memory_space<hbm>> -> memref<20000x64xf32, #tpu.memory_space<hbm>>
    tpu.enqueue_indirect_dma source(%dma_start3A_19 : memref<20000x64xf32, #tpu.memory_space<hbm>>) target(%arg11 : memref<128x64xf32, #tpu.memory_space<vmem>>) offsets(%dma_start3A_16 : memref<128xi32, #tpu.memory_space<vmem>>) semaphore(%arg18 : memref<!tpu.dma_semaphore, #tpu.memory_space<semaphore_mem>>)
    %dma_start3A_20 = arith.constant 3 : i32
    %dma_start3A_21 = arith.constant 0 : i32
    %dma_start3A_22 = tpu.memref_slice %arg7[%dma_start3A_20, %dma_start3A_21] : memref<162x128xi32, #tpu.memory_space<vmem>> -> memref<1x128xi32, #tpu.memory_space<vmem>>
    %dma_start3A_23 = tpu.memref_squeeze %dma_start3A_22 : memref<1x128xi32, #tpu.memory_space<vmem>> -> memref<128xi32, #tpu.memory_space<vmem>>
    %dma_start3A_24 = arith.constant 0 : i32
    %dma_start3A_25 = arith.constant 0 : i32
    %dma_start3A_26 = tpu.memref_slice %arg2[%dma_start3A_24, %dma_start3A_25] : memref<20000x64xf32, #tpu.memory_space<hbm>> -> memref<20000x64xf32, #tpu.memory_space<hbm>>
    tpu.enqueue_indirect_dma source(%dma_start3A_26 : memref<20000x64xf32, #tpu.memory_space<hbm>>) target(%arg12 : memref<128x64xf32, #tpu.memory_space<vmem>>) offsets(%dma_start3A_23 : memref<128xi32, #tpu.memory_space<vmem>>) semaphore(%arg19 : memref<!tpu.dma_semaphore, #tpu.memory_space<semaphore_mem>>)
    %dma_start3A_27 = arith.constant 4 : i32
    %dma_start3A_28 = arith.constant 0 : i32
    %dma_start3A_29 = tpu.memref_slice %arg7[%dma_start3A_27, %dma_start3A_28] : memref<162x128xi32, #tpu.memory_space<vmem>> -> memref<1x128xi32, #tpu.memory_space<vmem>>
    %dma_start3A_30 = tpu.memref_squeeze %dma_start3A_29 : memref<1x128xi32, #tpu.memory_space<vmem>> -> memref<128xi32, #tpu.memory_space<vmem>>
    %dma_start3A_31 = arith.constant 0 : i32
    %dma_start3A_32 = arith.constant 0 : i32
    %dma_start3A_33 = tpu.memref_slice %arg2[%dma_start3A_31, %dma_start3A_32] : memref<20000x64xf32, #tpu.memory_space<hbm>> -> memref<20000x64xf32, #tpu.memory_space<hbm>>
    tpu.enqueue_indirect_dma source(%dma_start3A_33 : memref<20000x64xf32, #tpu.memory_space<hbm>>) target(%arg13 : memref<128x64xf32, #tpu.memory_space<vmem>>) offsets(%dma_start3A_30 : memref<128xi32, #tpu.memory_space<vmem>>) semaphore(%arg20 : memref<!tpu.dma_semaphore, #tpu.memory_space<semaphore_mem>>)
    %dma_start3A_34 = arith.constant 5 : i32
    %dma_start3A_35 = arith.constant 0 : i32
    %dma_start3A_36 = tpu.memref_slice %arg7[%dma_start3A_34, %dma_start3A_35] : memref<162x128xi32, #tpu.memory_space<vmem>> -> memref<1x128xi32, #tpu.memory_space<vmem>>
    %dma_start3A_37 = tpu.memref_squeeze %dma_start3A_36 : memref<1x128xi32, #tpu.memory_space<vmem>> -> memref<128xi32, #tpu.memory_space<vmem>>
    %dma_start3A_38 = arith.constant 0 : i32
    %dma_start3A_39 = arith.constant 0 : i32
    %dma_start3A_40 = tpu.memref_slice %arg2[%dma_start3A_38, %dma_start3A_39] : memref<20000x64xf32, #tpu.memory_space<hbm>> -> memref<20000x64xf32, #tpu.memory_space<hbm>>
    tpu.enqueue_indirect_dma source(%dma_start3A_40 : memref<20000x64xf32, #tpu.memory_space<hbm>>) target(%arg14 : memref<128x64xf32, #tpu.memory_space<vmem>>) offsets(%dma_start3A_37 : memref<128xi32, #tpu.memory_space<vmem>>) semaphore(%arg21 : memref<!tpu.dma_semaphore, #tpu.memory_space<semaphore_mem>>)
    %barrier3A = arith.constant 0 : index
    tpu.barrier barrier_id(%barrier3A)
    %mul3A = arith.constant 631 : i32
    %mul3A_41 = arith.muli %arg1, %mul3A : i32
    %mul3A_42 = arith.constant 631 : i32
    %mul3A_43 = arith.muli %arg1, %mul3A_42 : i32
    "tpu.region"() ({
      %run_scoped3A = tpu.sem_alloc : memref<!tpu.dma_semaphore, #tpu.memory_space<semaphore_mem>>
      %dma_start3A_55 = arith.constant 0 : i32
      %dma_start3A_56 = tpu.memref_slice %arg15[%mul3A_43, %dma_start3A_55] : memref<10096x64xf32, #tpu.memory_space<vmem_shared>> -> memref<631x64xf32, #tpu.memory_space<vmem_shared>>
      %dma_start3A_57 = arith.constant 0 : i32
      %dma_start3A_58 = tpu.memref_slice %arg5[%mul3A_41, %dma_start3A_57] : memref<10096x64xf32, #tpu.memory_space<hbm>> -> memref<631x64xf32, #tpu.memory_space<hbm>>
      tpu.enqueue_dma source(%dma_start3A_58 : memref<631x64xf32, #tpu.memory_space<hbm>>) target(%dma_start3A_56 : memref<631x64xf32, #tpu.memory_space<vmem_shared>>) target_semaphore(%run_scoped3A : memref<!tpu.dma_semaphore, #tpu.memory_space<semaphore_mem>>)
      %dma_wait3A = arith.constant 0 : i32
      %dma_wait3A_59 = tpu.memref_slice %arg15[%mul3A_43, %dma_wait3A] : memref<10096x64xf32, #tpu.memory_space<vmem_shared>> -> memref<631x64xf32, #tpu.memory_space<vmem_shared>>
      %dma_wait3A_60 = arith.constant 0 : i32
      %dma_wait3A_61 = tpu.memref_slice %arg5[%mul3A_41, %dma_wait3A_60] : memref<10096x64xf32, #tpu.memory_space<hbm>> -> memref<631x64xf32, #tpu.memory_space<hbm>>
      tpu.wait_dma2 semaphore(%run_scoped3A : memref<!tpu.dma_semaphore, #tpu.memory_space<semaphore_mem>>) src(%dma_wait3A_61 : memref<631x64xf32, #tpu.memory_space<hbm>>) dst(%dma_wait3A_59 : memref<631x64xf32, #tpu.memory_space<vmem_shared>>)
      tpu.yield
    }) : () -> ()
    %barrier3A_44 = arith.constant 0 : index
    tpu.barrier barrier_id(%barrier3A_44)
    %scan3A = arith.constant 0 : i32
    %scan3A_45 = arith.constant 0 : i32
    %scan3A_46 = arith.constant 27 : i32
    %scan3A_47 = arith.addi %scan3A_45, %scan3A_46 : i32
    %scan3A_48 = arith.constant 1 : i32
    scf.for %scan3A_55 = %scan3A_45 to %scan3A_47 step %scan3A_48  : i32 {
      %mul3A_56 = arith.constant 6 : i32
      %mul3A_57 = arith.muli %mul3A_56, %scan3A_55 : i32
      %add3A = arith.constant 0 : i32
      %add3A_58 = arith.addi %mul3A_57, %add3A : i32
      %add3A_59 = arith.constant 0 : i32
      %add3A_60 = arith.addi %add3A_58, %add3A_59 : i32
      %dma_wait3A = arith.constant 0 : i32
      %dma_wait3A_61 = tpu.memref_slice %arg7[%add3A_60, %dma_wait3A] : memref<162x128xi32, #tpu.memory_space<vmem>> -> memref<1x128xi32, #tpu.memory_space<vmem>>
      %dma_wait3A_62 = tpu.memref_squeeze %dma_wait3A_61 : memref<1x128xi32, #tpu.memory_space<vmem>> -> memref<128xi32, #tpu.memory_space<vmem>>
      %dma_wait3A_63 = arith.constant 0 : i32
      %dma_wait3A_64 = arith.constant 0 : i32
      %dma_wait3A_65 = tpu.memref_slice %arg2[%dma_wait3A_63, %dma_wait3A_64] : memref<20000x64xf32, #tpu.memory_space<hbm>> -> memref<20000x64xf32, #tpu.memory_space<hbm>>
      tpu.wait_indirect_dma semaphore(%arg16 : memref<!tpu.dma_semaphore, #tpu.memory_space<semaphore_mem>>) src(%dma_wait3A_65 : memref<20000x64xf32, #tpu.memory_space<hbm>>) dst(%arg9 : memref<128x64xf32, #tpu.memory_space<vmem>>)
      %add3A_66 = arith.constant 1 : i32
      %add3A_67 = arith.addi %add3A_58, %add3A_66 : i32
      %dma_wait3A_68 = arith.constant 0 : i32
      %dma_wait3A_69 = tpu.memref_slice %arg7[%add3A_67, %dma_wait3A_68] : memref<162x128xi32, #tpu.memory_space<vmem>> -> memref<1x128xi32, #tpu.memory_space<vmem>>
      %dma_wait3A_70 = tpu.memref_squeeze %dma_wait3A_69 : memref<1x128xi32, #tpu.memory_space<vmem>> -> memref<128xi32, #tpu.memory_space<vmem>>
      %dma_wait3A_71 = arith.constant 0 : i32
      %dma_wait3A_72 = arith.constant 0 : i32
      %dma_wait3A_73 = tpu.memref_slice %arg2[%dma_wait3A_71, %dma_wait3A_72] : memref<20000x64xf32, #tpu.memory_space<hbm>> -> memref<20000x64xf32, #tpu.memory_space<hbm>>
      tpu.wait_indirect_dma semaphore(%arg17 : memref<!tpu.dma_semaphore, #tpu.memory_space<semaphore_mem>>) src(%dma_wait3A_73 : memref<20000x64xf32, #tpu.memory_space<hbm>>) dst(%arg10 : memref<128x64xf32, #tpu.memory_space<vmem>>)
      %add3A_74 = arith.constant 2 : i32
      %add3A_75 = arith.addi %add3A_58, %add3A_74 : i32
      %dma_wait3A_76 = arith.constant 0 : i32
      %dma_wait3A_77 = tpu.memref_slice %arg7[%add3A_75, %dma_wait3A_76] : memref<162x128xi32, #tpu.memory_space<vmem>> -> memref<1x128xi32, #tpu.memory_space<vmem>>
      %dma_wait3A_78 = tpu.memref_squeeze %dma_wait3A_77 : memref<1x128xi32, #tpu.memory_space<vmem>> -> memref<128xi32, #tpu.memory_space<vmem>>
      %dma_wait3A_79 = arith.constant 0 : i32
      %dma_wait3A_80 = arith.constant 0 : i32
      %dma_wait3A_81 = tpu.memref_slice %arg2[%dma_wait3A_79, %dma_wait3A_80] : memref<20000x64xf32, #tpu.memory_space<hbm>> -> memref<20000x64xf32, #tpu.memory_space<hbm>>
      tpu.wait_indirect_dma semaphore(%arg18 : memref<!tpu.dma_semaphore, #tpu.memory_space<semaphore_mem>>) src(%dma_wait3A_81 : memref<20000x64xf32, #tpu.memory_space<hbm>>) dst(%arg11 : memref<128x64xf32, #tpu.memory_space<vmem>>)
      %add3A_82 = arith.constant 0 : i32
      %add3A_83 = arith.addi %add3A_58, %add3A_82 : i32
      %dma_start3A_84 = arith.constant 0 : i32
      %dma_start3A_85 = tpu.memref_slice %arg8[%add3A_83, %dma_start3A_84] : memref<162x128xi32, #tpu.memory_space<vmem>> -> memref<1x128xi32, #tpu.memory_space<vmem>>
      %dma_start3A_86 = tpu.memref_squeeze %dma_start3A_85 : memref<1x128xi32, #tpu.memory_space<vmem>> -> memref<128xi32, #tpu.memory_space<vmem>>
      %dma_start3A_87 = arith.constant 0 : i32
      %dma_start3A_88 = arith.constant 0 : i32
      %dma_start3A_89 = tpu.memref_slice %arg15[%dma_start3A_87, %dma_start3A_88] : memref<10096x64xf32, #tpu.memory_space<vmem_shared>> -> memref<10096x64xf32, #tpu.memory_space<vmem_shared>>
      tpu.enqueue_indirect_dma source(%arg9 : memref<128x64xf32, #tpu.memory_space<vmem>>) target(%dma_start3A_89 : memref<10096x64xf32, #tpu.memory_space<vmem_shared>>) offsets(%dma_start3A_86 : memref<128xi32, #tpu.memory_space<vmem>>) semaphore(%arg22 : memref<!tpu.dma_semaphore, #tpu.memory_space<semaphore_mem>>) {add = true}
      %add3A_90 = arith.constant 1 : i32
      %add3A_91 = arith.addi %add3A_58, %add3A_90 : i32
      %dma_start3A_92 = arith.constant 0 : i32
      %dma_start3A_93 = tpu.memref_slice %arg8[%add3A_91, %dma_start3A_92] : memref<162x128xi32, #tpu.memory_space<vmem>> -> memref<1x128xi32, #tpu.memory_space<vmem>>
      %dma_start3A_94 = tpu.memref_squeeze %dma_start3A_93 : memref<1x128xi32, #tpu.memory_space<vmem>> -> memref<128xi32, #tpu.memory_space<vmem>>
      %dma_start3A_95 = arith.constant 0 : i32
      %dma_start3A_96 = arith.constant 0 : i32
      %dma_start3A_97 = tpu.memref_slice %arg15[%dma_start3A_95, %dma_start3A_96] : memref<10096x64xf32, #tpu.memory_space<vmem_shared>> -> memref<10096x64xf32, #tpu.memory_space<vmem_shared>>
      tpu.enqueue_indirect_dma source(%arg10 : memref<128x64xf32, #tpu.memory_space<vmem>>) target(%dma_start3A_97 : memref<10096x64xf32, #tpu.memory_space<vmem_shared>>) offsets(%dma_start3A_94 : memref<128xi32, #tpu.memory_space<vmem>>) semaphore(%arg23 : memref<!tpu.dma_semaphore, #tpu.memory_space<semaphore_mem>>) {add = true}
      %add3A_98 = arith.constant 2 : i32
      %add3A_99 = arith.addi %add3A_58, %add3A_98 : i32
      %dma_start3A_100 = arith.constant 0 : i32
      %dma_start3A_101 = tpu.memref_slice %arg8[%add3A_99, %dma_start3A_100] : memref<162x128xi32, #tpu.memory_space<vmem>> -> memref<1x128xi32, #tpu.memory_space<vmem>>
      %dma_start3A_102 = tpu.memref_squeeze %dma_start3A_101 : memref<1x128xi32, #tpu.memory_space<vmem>> -> memref<128xi32, #tpu.memory_space<vmem>>
      %dma_start3A_103 = arith.constant 0 : i32
      %dma_start3A_104 = arith.constant 0 : i32
      %dma_start3A_105 = tpu.memref_slice %arg15[%dma_start3A_103, %dma_start3A_104] : memref<10096x64xf32, #tpu.memory_space<vmem_shared>> -> memref<10096x64xf32, #tpu.memory_space<vmem_shared>>
      tpu.enqueue_indirect_dma source(%arg11 : memref<128x64xf32, #tpu.memory_space<vmem>>) target(%dma_start3A_105 : memref<10096x64xf32, #tpu.memory_space<vmem_shared>>) offsets(%dma_start3A_102 : memref<128xi32, #tpu.memory_space<vmem>>) semaphore(%arg24 : memref<!tpu.dma_semaphore, #tpu.memory_space<semaphore_mem>>) {add = true}
      %dma_wait3A_106 = arith.constant 0 : i32
      %dma_wait3A_107 = tpu.memref_slice %arg8[%add3A_83, %dma_wait3A_106] : memref<162x128xi32, #tpu.memory_space<vmem>> -> memref<1x128xi32, #tpu.memory_space<vmem>>
      %dma_wait3A_108 = tpu.memref_squeeze %dma_wait3A_107 : memref<1x128xi32, #tpu.memory_space<vmem>> -> memref<128xi32, #tpu.memory_space<vmem>>
      %dma_wait3A_109 = arith.constant 0 : i32
      %dma_wait3A_110 = arith.constant 0 : i32
      %dma_wait3A_111 = tpu.memref_slice %arg15[%dma_wait3A_109, %dma_wait3A_110] : memref<10096x64xf32, #tpu.memory_space<vmem_shared>> -> memref<10096x64xf32, #tpu.memory_space<vmem_shared>>
      tpu.wait_indirect_dma semaphore(%arg22 : memref<!tpu.dma_semaphore, #tpu.memory_space<semaphore_mem>>) src(%arg9 : memref<128x64xf32, #tpu.memory_space<vmem>>) dst(%dma_wait3A_111 : memref<10096x64xf32, #tpu.memory_space<vmem_shared>>)
      %add3A_112 = arith.constant 0 : i32
      %add3A_113 = arith.addi %add3A_58, %add3A_112 : i32
      %add3A_114 = arith.constant 6 : i32
      %add3A_115 = arith.addi %add3A_113, %add3A_114 : i32
      %lt3A = arith.constant 162 : i32
      %lt3A_116 = arith.cmpi slt, %add3A_115, %lt3A : i32
      %convert_element_type3A = arith.extui %lt3A_116 : i1 to i32
      %cond3A = arith.constant 0 : i32
      %cond3A_117 = arith.cmpi ne, %convert_element_type3A, %cond3A : i32
      scf.if %cond3A_117 {
        %dma_start3A_243 = arith.constant 0 : i32
        %dma_start3A_244 = tpu.memref_slice %arg7[%add3A_115, %dma_start3A_243] : memref<162x128xi32, #tpu.memory_space<vmem>> -> memref<1x128xi32, #tpu.memory_space<vmem>>
        %dma_start3A_245 = tpu.memref_squeeze %dma_start3A_244 : memref<1x128xi32, #tpu.memory_space<vmem>> -> memref<128xi32, #tpu.memory_space<vmem>>
        %dma_start3A_246 = arith.constant 0 : i32
        %dma_start3A_247 = arith.constant 0 : i32
        %dma_start3A_248 = tpu.memref_slice %arg2[%dma_start3A_246, %dma_start3A_247] : memref<20000x64xf32, #tpu.memory_space<hbm>> -> memref<20000x64xf32, #tpu.memory_space<hbm>>
        tpu.enqueue_indirect_dma source(%dma_start3A_248 : memref<20000x64xf32, #tpu.memory_space<hbm>>) target(%arg9 : memref<128x64xf32, #tpu.memory_space<vmem>>) offsets(%dma_start3A_245 : memref<128xi32, #tpu.memory_space<vmem>>) semaphore(%arg16 : memref<!tpu.dma_semaphore, #tpu.memory_space<semaphore_mem>>)
      } else {
      }
      %dma_wait3A_118 = arith.constant 0 : i32
      %dma_wait3A_119 = tpu.memref_slice %arg8[%add3A_91, %dma_wait3A_118] : memref<162x128xi32, #tpu.memory_space<vmem>> -> memref<1x128xi32, #tpu.memory_space<vmem>>
      %dma_wait3A_120 = tpu.memref_squeeze %dma_wait3A_119 : memref<1x128xi32, #tpu.memory_space<vmem>> -> memref<128xi32, #tpu.memory_space<vmem>>
      %dma_wait3A_121 = arith.constant 0 : i32
      %dma_wait3A_122 = arith.constant 0 : i32
      %dma_wait3A_123 = tpu.memref_slice %arg15[%dma_wait3A_121, %dma_wait3A_122] : memref<10096x64xf32, #tpu.memory_space<vmem_shared>> -> memref<10096x64xf32, #tpu.memory_space<vmem_shared>>
      tpu.wait_indirect_dma semaphore(%arg23 : memref<!tpu.dma_semaphore, #tpu.memory_space<semaphore_mem>>) src(%arg10 : memref<128x64xf32, #tpu.memory_space<vmem>>) dst(%dma_wait3A_123 : memref<10096x64xf32, #tpu.memory_space<vmem_shared>>)
      %add3A_124 = arith.constant 1 : i32
      %add3A_125 = arith.addi %add3A_58, %add3A_124 : i32
      %add3A_126 = arith.constant 6 : i32
      %add3A_127 = arith.addi %add3A_125, %add3A_126 : i32
      %lt3A_128 = arith.constant 162 : i32
      %lt3A_129 = arith.cmpi slt, %add3A_127, %lt3A_128 : i32
      %convert_element_type3A_130 = arith.extui %lt3A_129 : i1 to i32
      %cond3A_131 = arith.constant 0 : i32
      %cond3A_132 = arith.cmpi ne, %convert_element_type3A_130, %cond3A_131 : i32
      scf.if %cond3A_132 {
        %dma_start3A_243 = arith.constant 0 : i32
        %dma_start3A_244 = tpu.memref_slice %arg7[%add3A_127, %dma_start3A_243] : memref<162x128xi32, #tpu.memory_space<vmem>> -> memref<1x128xi32, #tpu.memory_space<vmem>>
        %dma_start3A_245 = tpu.memref_squeeze %dma_start3A_244 : memref<1x128xi32, #tpu.memory_space<vmem>> -> memref<128xi32, #tpu.memory_space<vmem>>
        %dma_start3A_246 = arith.constant 0 : i32
        %dma_start3A_247 = arith.constant 0 : i32
        %dma_start3A_248 = tpu.memref_slice %arg2[%dma_start3A_246, %dma_start3A_247] : memref<20000x64xf32, #tpu.memory_space<hbm>> -> memref<20000x64xf32, #tpu.memory_space<hbm>>
        tpu.enqueue_indirect_dma source(%dma_start3A_248 : memref<20000x64xf32, #tpu.memory_space<hbm>>) target(%arg10 : memref<128x64xf32, #tpu.memory_space<vmem>>) offsets(%dma_start3A_245 : memref<128xi32, #tpu.memory_space<vmem>>) semaphore(%arg17 : memref<!tpu.dma_semaphore, #tpu.memory_space<semaphore_mem>>)
      } else {
      }
      %dma_wait3A_133 = arith.constant 0 : i32
      %dma_wait3A_134 = tpu.memref_slice %arg8[%add3A_99, %dma_wait3A_133] : memref<162x128xi32, #tpu.memory_space<vmem>> -> memref<1x128xi32, #tpu.memory_space<vmem>>
      %dma_wait3A_135 = tpu.memref_squeeze %dma_wait3A_134 : memref<1x128xi32, #tpu.memory_space<vmem>> -> memref<128xi32, #tpu.memory_space<vmem>>
      %dma_wait3A_136 = arith.constant 0 : i32
      %dma_wait3A_137 = arith.constant 0 : i32
      %dma_wait3A_138 = tpu.memref_slice %arg15[%dma_wait3A_136, %dma_wait3A_137] : memref<10096x64xf32, #tpu.memory_space<vmem_shared>> -> memref<10096x64xf32, #tpu.memory_space<vmem_shared>>
      tpu.wait_indirect_dma semaphore(%arg24 : memref<!tpu.dma_semaphore, #tpu.memory_space<semaphore_mem>>) src(%arg11 : memref<128x64xf32, #tpu.memory_space<vmem>>) dst(%dma_wait3A_138 : memref<10096x64xf32, #tpu.memory_space<vmem_shared>>)
      %add3A_139 = arith.constant 2 : i32
      %add3A_140 = arith.addi %add3A_58, %add3A_139 : i32
      %add3A_141 = arith.constant 6 : i32
      %add3A_142 = arith.addi %add3A_140, %add3A_141 : i32
      %lt3A_143 = arith.constant 162 : i32
      %lt3A_144 = arith.cmpi slt, %add3A_142, %lt3A_143 : i32
      %convert_element_type3A_145 = arith.extui %lt3A_144 : i1 to i32
      %cond3A_146 = arith.constant 0 : i32
      %cond3A_147 = arith.cmpi ne, %convert_element_type3A_145, %cond3A_146 : i32
      scf.if %cond3A_147 {
        %dma_start3A_243 = arith.constant 0 : i32
        %dma_start3A_244 = tpu.memref_slice %arg7[%add3A_142, %dma_start3A_243] : memref<162x128xi32, #tpu.memory_space<vmem>> -> memref<1x128xi32, #tpu.memory_space<vmem>>
        %dma_start3A_245 = tpu.memref_squeeze %dma_start3A_244 : memref<1x128xi32, #tpu.memory_space<vmem>> -> memref<128xi32, #tpu.memory_space<vmem>>
        %dma_start3A_246 = arith.constant 0 : i32
        %dma_start3A_247 = arith.constant 0 : i32
        %dma_start3A_248 = tpu.memref_slice %arg2[%dma_start3A_246, %dma_start3A_247] : memref<20000x64xf32, #tpu.memory_space<hbm>> -> memref<20000x64xf32, #tpu.memory_space<hbm>>
        tpu.enqueue_indirect_dma source(%dma_start3A_248 : memref<20000x64xf32, #tpu.memory_space<hbm>>) target(%arg11 : memref<128x64xf32, #tpu.memory_space<vmem>>) offsets(%dma_start3A_245 : memref<128xi32, #tpu.memory_space<vmem>>) semaphore(%arg18 : memref<!tpu.dma_semaphore, #tpu.memory_space<semaphore_mem>>)
      } else {
      }
      %add3A_148 = arith.constant 3 : i32
      %add3A_149 = arith.addi %mul3A_57, %add3A_148 : i32
      %add3A_150 = arith.constant 0 : i32
      %add3A_151 = arith.addi %add3A_149, %add3A_150 : i32
      %dma_wait3A_152 = arith.constant 0 : i32
      %dma_wait3A_153 = tpu.memref_slice %arg7[%add3A_151, %dma_wait3A_152] : memref<162x128xi32, #tpu.memory_space<vmem>> -> memref<1x128xi32, #tpu.memory_space<vmem>>
      %dma_wait3A_154 = tpu.memref_squeeze %dma_wait3A_153 : memref<1x128xi32, #tpu.memory_space<vmem>> -> memref<128xi32, #tpu.memory_space<vmem>>
      %dma_wait3A_155 = arith.constant 0 : i32
      %dma_wait3A_156 = arith.constant 0 : i32
      %dma_wait3A_157 = tpu.memref_slice %arg2[%dma_wait3A_155, %dma_wait3A_156] : memref<20000x64xf32, #tpu.memory_space<hbm>> -> memref<20000x64xf32, #tpu.memory_space<hbm>>
      tpu.wait_indirect_dma semaphore(%arg19 : memref<!tpu.dma_semaphore, #tpu.memory_space<semaphore_mem>>) src(%dma_wait3A_157 : memref<20000x64xf32, #tpu.memory_space<hbm>>) dst(%arg12 : memref<128x64xf32, #tpu.memory_space<vmem>>)
      %add3A_158 = arith.constant 1 : i32
      %add3A_159 = arith.addi %add3A_149, %add3A_158 : i32
      %dma_wait3A_160 = arith.constant 0 : i32
      %dma_wait3A_161 = tpu.memref_slice %arg7[%add3A_159, %dma_wait3A_160] : memref<162x128xi32, #tpu.memory_space<vmem>> -> memref<1x128xi32, #tpu.memory_space<vmem>>
      %dma_wait3A_162 = tpu.memref_squeeze %dma_wait3A_161 : memref<1x128xi32, #tpu.memory_space<vmem>> -> memref<128xi32, #tpu.memory_space<vmem>>
      %dma_wait3A_163 = arith.constant 0 : i32
      %dma_wait3A_164 = arith.constant 0 : i32
      %dma_wait3A_165 = tpu.memref_slice %arg2[%dma_wait3A_163, %dma_wait3A_164] : memref<20000x64xf32, #tpu.memory_space<hbm>> -> memref<20000x64xf32, #tpu.memory_space<hbm>>
      tpu.wait_indirect_dma semaphore(%arg20 : memref<!tpu.dma_semaphore, #tpu.memory_space<semaphore_mem>>) src(%dma_wait3A_165 : memref<20000x64xf32, #tpu.memory_space<hbm>>) dst(%arg13 : memref<128x64xf32, #tpu.memory_space<vmem>>)
      %add3A_166 = arith.constant 2 : i32
      %add3A_167 = arith.addi %add3A_149, %add3A_166 : i32
      %dma_wait3A_168 = arith.constant 0 : i32
      %dma_wait3A_169 = tpu.memref_slice %arg7[%add3A_167, %dma_wait3A_168] : memref<162x128xi32, #tpu.memory_space<vmem>> -> memref<1x128xi32, #tpu.memory_space<vmem>>
      %dma_wait3A_170 = tpu.memref_squeeze %dma_wait3A_169 : memref<1x128xi32, #tpu.memory_space<vmem>> -> memref<128xi32, #tpu.memory_space<vmem>>
      %dma_wait3A_171 = arith.constant 0 : i32
      %dma_wait3A_172 = arith.constant 0 : i32
      %dma_wait3A_173 = tpu.memref_slice %arg2[%dma_wait3A_171, %dma_wait3A_172] : memref<20000x64xf32, #tpu.memory_space<hbm>> -> memref<20000x64xf32, #tpu.memory_space<hbm>>
      tpu.wait_indirect_dma semaphore(%arg21 : memref<!tpu.dma_semaphore, #tpu.memory_space<semaphore_mem>>) src(%dma_wait3A_173 : memref<20000x64xf32, #tpu.memory_space<hbm>>) dst(%arg14 : memref<128x64xf32, #tpu.memory_space<vmem>>)
      %add3A_174 = arith.constant 0 : i32
      %add3A_175 = arith.addi %add3A_149, %add3A_174 : i32
      %dma_start3A_176 = arith.constant 0 : i32
      %dma_start3A_177 = tpu.memref_slice %arg8[%add3A_175, %dma_start3A_176] : memref<162x128xi32, #tpu.memory_space<vmem>> -> memref<1x128xi32, #tpu.memory_space<vmem>>
      %dma_start3A_178 = tpu.memref_squeeze %dma_start3A_177 : memref<1x128xi32, #tpu.memory_space<vmem>> -> memref<128xi32, #tpu.memory_space<vmem>>
      %dma_start3A_179 = arith.constant 0 : i32
      %dma_start3A_180 = arith.constant 0 : i32
      %dma_start3A_181 = tpu.memref_slice %arg15[%dma_start3A_179, %dma_start3A_180] : memref<10096x64xf32, #tpu.memory_space<vmem_shared>> -> memref<10096x64xf32, #tpu.memory_space<vmem_shared>>
      tpu.enqueue_indirect_dma source(%arg12 : memref<128x64xf32, #tpu.memory_space<vmem>>) target(%dma_start3A_181 : memref<10096x64xf32, #tpu.memory_space<vmem_shared>>) offsets(%dma_start3A_178 : memref<128xi32, #tpu.memory_space<vmem>>) semaphore(%arg25 : memref<!tpu.dma_semaphore, #tpu.memory_space<semaphore_mem>>) {add = true}
      %add3A_182 = arith.constant 1 : i32
      %add3A_183 = arith.addi %add3A_149, %add3A_182 : i32
      %dma_start3A_184 = arith.constant 0 : i32
      %dma_start3A_185 = tpu.memref_slice %arg8[%add3A_183, %dma_start3A_184] : memref<162x128xi32, #tpu.memory_space<vmem>> -> memref<1x128xi32, #tpu.memory_space<vmem>>
      %dma_start3A_186 = tpu.memref_squeeze %dma_start3A_185 : memref<1x128xi32, #tpu.memory_space<vmem>> -> memref<128xi32, #tpu.memory_space<vmem>>
      %dma_start3A_187 = arith.constant 0 : i32
      %dma_start3A_188 = arith.constant 0 : i32
      %dma_start3A_189 = tpu.memref_slice %arg15[%dma_start3A_187, %dma_start3A_188] : memref<10096x64xf32, #tpu.memory_space<vmem_shared>> -> memref<10096x64xf32, #tpu.memory_space<vmem_shared>>
      tpu.enqueue_indirect_dma source(%arg13 : memref<128x64xf32, #tpu.memory_space<vmem>>) target(%dma_start3A_189 : memref<10096x64xf32, #tpu.memory_space<vmem_shared>>) offsets(%dma_start3A_186 : memref<128xi32, #tpu.memory_space<vmem>>) semaphore(%arg26 : memref<!tpu.dma_semaphore, #tpu.memory_space<semaphore_mem>>) {add = true}
      %add3A_190 = arith.constant 2 : i32
      %add3A_191 = arith.addi %add3A_149, %add3A_190 : i32
      %dma_start3A_192 = arith.constant 0 : i32
      %dma_start3A_193 = tpu.memref_slice %arg8[%add3A_191, %dma_start3A_192] : memref<162x128xi32, #tpu.memory_space<vmem>> -> memref<1x128xi32, #tpu.memory_space<vmem>>
      %dma_start3A_194 = tpu.memref_squeeze %dma_start3A_193 : memref<1x128xi32, #tpu.memory_space<vmem>> -> memref<128xi32, #tpu.memory_space<vmem>>
      %dma_start3A_195 = arith.constant 0 : i32
      %dma_start3A_196 = arith.constant 0 : i32
      %dma_start3A_197 = tpu.memref_slice %arg15[%dma_start3A_195, %dma_start3A_196] : memref<10096x64xf32, #tpu.memory_space<vmem_shared>> -> memref<10096x64xf32, #tpu.memory_space<vmem_shared>>
      tpu.enqueue_indirect_dma source(%arg14 : memref<128x64xf32, #tpu.memory_space<vmem>>) target(%dma_start3A_197 : memref<10096x64xf32, #tpu.memory_space<vmem_shared>>) offsets(%dma_start3A_194 : memref<128xi32, #tpu.memory_space<vmem>>) semaphore(%arg27 : memref<!tpu.dma_semaphore, #tpu.memory_space<semaphore_mem>>) {add = true}
      %dma_wait3A_198 = arith.constant 0 : i32
      %dma_wait3A_199 = tpu.memref_slice %arg8[%add3A_175, %dma_wait3A_198] : memref<162x128xi32, #tpu.memory_space<vmem>> -> memref<1x128xi32, #tpu.memory_space<vmem>>
      %dma_wait3A_200 = tpu.memref_squeeze %dma_wait3A_199 : memref<1x128xi32, #tpu.memory_space<vmem>> -> memref<128xi32, #tpu.memory_space<vmem>>
      %dma_wait3A_201 = arith.constant 0 : i32
      %dma_wait3A_202 = arith.constant 0 : i32
      %dma_wait3A_203 = tpu.memref_slice %arg15[%dma_wait3A_201, %dma_wait3A_202] : memref<10096x64xf32, #tpu.memory_space<vmem_shared>> -> memref<10096x64xf32, #tpu.memory_space<vmem_shared>>
      tpu.wait_indirect_dma semaphore(%arg25 : memref<!tpu.dma_semaphore, #tpu.memory_space<semaphore_mem>>) src(%arg12 : memref<128x64xf32, #tpu.memory_space<vmem>>) dst(%dma_wait3A_203 : memref<10096x64xf32, #tpu.memory_space<vmem_shared>>)
      %add3A_204 = arith.constant 0 : i32
      %add3A_205 = arith.addi %add3A_149, %add3A_204 : i32
      %add3A_206 = arith.constant 6 : i32
      %add3A_207 = arith.addi %add3A_205, %add3A_206 : i32
      %lt3A_208 = arith.constant 162 : i32
      %lt3A_209 = arith.cmpi slt, %add3A_207, %lt3A_208 : i32
      %convert_element_type3A_210 = arith.extui %lt3A_209 : i1 to i32
      %cond3A_211 = arith.constant 0 : i32
      %cond3A_212 = arith.cmpi ne, %convert_element_type3A_210, %cond3A_211 : i32
      scf.if %cond3A_212 {
        %dma_start3A_243 = arith.constant 0 : i32
        %dma_start3A_244 = tpu.memref_slice %arg7[%add3A_207, %dma_start3A_243] : memref<162x128xi32, #tpu.memory_space<vmem>> -> memref<1x128xi32, #tpu.memory_space<vmem>>
        %dma_start3A_245 = tpu.memref_squeeze %dma_start3A_244 : memref<1x128xi32, #tpu.memory_space<vmem>> -> memref<128xi32, #tpu.memory_space<vmem>>
        %dma_start3A_246 = arith.constant 0 : i32
        %dma_start3A_247 = arith.constant 0 : i32
        %dma_start3A_248 = tpu.memref_slice %arg2[%dma_start3A_246, %dma_start3A_247] : memref<20000x64xf32, #tpu.memory_space<hbm>> -> memref<20000x64xf32, #tpu.memory_space<hbm>>
        tpu.enqueue_indirect_dma source(%dma_start3A_248 : memref<20000x64xf32, #tpu.memory_space<hbm>>) target(%arg12 : memref<128x64xf32, #tpu.memory_space<vmem>>) offsets(%dma_start3A_245 : memref<128xi32, #tpu.memory_space<vmem>>) semaphore(%arg19 : memref<!tpu.dma_semaphore, #tpu.memory_space<semaphore_mem>>)
      } else {
      }
      %dma_wait3A_213 = arith.constant 0 : i32
      %dma_wait3A_214 = tpu.memref_slice %arg8[%add3A_183, %dma_wait3A_213] : memref<162x128xi32, #tpu.memory_space<vmem>> -> memref<1x128xi32, #tpu.memory_space<vmem>>
      %dma_wait3A_215 = tpu.memref_squeeze %dma_wait3A_214 : memref<1x128xi32, #tpu.memory_space<vmem>> -> memref<128xi32, #tpu.memory_space<vmem>>
      %dma_wait3A_216 = arith.constant 0 : i32
      %dma_wait3A_217 = arith.constant 0 : i32
      %dma_wait3A_218 = tpu.memref_slice %arg15[%dma_wait3A_216, %dma_wait3A_217] : memref<10096x64xf32, #tpu.memory_space<vmem_shared>> -> memref<10096x64xf32, #tpu.memory_space<vmem_shared>>
      tpu.wait_indirect_dma semaphore(%arg26 : memref<!tpu.dma_semaphore, #tpu.memory_space<semaphore_mem>>) src(%arg13 : memref<128x64xf32, #tpu.memory_space<vmem>>) dst(%dma_wait3A_218 : memref<10096x64xf32, #tpu.memory_space<vmem_shared>>)
      %add3A_219 = arith.constant 1 : i32
      %add3A_220 = arith.addi %add3A_149, %add3A_219 : i32
      %add3A_221 = arith.constant 6 : i32
      %add3A_222 = arith.addi %add3A_220, %add3A_221 : i32
      %lt3A_223 = arith.constant 162 : i32
      %lt3A_224 = arith.cmpi slt, %add3A_222, %lt3A_223 : i32
      %convert_element_type3A_225 = arith.extui %lt3A_224 : i1 to i32
      %cond3A_226 = arith.constant 0 : i32
      %cond3A_227 = arith.cmpi ne, %convert_element_type3A_225, %cond3A_226 : i32
      scf.if %cond3A_227 {
        %dma_start3A_243 = arith.constant 0 : i32
        %dma_start3A_244 = tpu.memref_slice %arg7[%add3A_222, %dma_start3A_243] : memref<162x128xi32, #tpu.memory_space<vmem>> -> memref<1x128xi32, #tpu.memory_space<vmem>>
        %dma_start3A_245 = tpu.memref_squeeze %dma_start3A_244 : memref<1x128xi32, #tpu.memory_space<vmem>> -> memref<128xi32, #tpu.memory_space<vmem>>
        %dma_start3A_246 = arith.constant 0 : i32
        %dma_start3A_247 = arith.constant 0 : i32
        %dma_start3A_248 = tpu.memref_slice %arg2[%dma_start3A_246, %dma_start3A_247] : memref<20000x64xf32, #tpu.memory_space<hbm>> -> memref<20000x64xf32, #tpu.memory_space<hbm>>
        tpu.enqueue_indirect_dma source(%dma_start3A_248 : memref<20000x64xf32, #tpu.memory_space<hbm>>) target(%arg13 : memref<128x64xf32, #tpu.memory_space<vmem>>) offsets(%dma_start3A_245 : memref<128xi32, #tpu.memory_space<vmem>>) semaphore(%arg20 : memref<!tpu.dma_semaphore, #tpu.memory_space<semaphore_mem>>)
      } else {
      }
      %dma_wait3A_228 = arith.constant 0 : i32
      %dma_wait3A_229 = tpu.memref_slice %arg8[%add3A_191, %dma_wait3A_228] : memref<162x128xi32, #tpu.memory_space<vmem>> -> memref<1x128xi32, #tpu.memory_space<vmem>>
      %dma_wait3A_230 = tpu.memref_squeeze %dma_wait3A_229 : memref<1x128xi32, #tpu.memory_space<vmem>> -> memref<128xi32, #tpu.memory_space<vmem>>
      %dma_wait3A_231 = arith.constant 0 : i32
      %dma_wait3A_232 = arith.constant 0 : i32
      %dma_wait3A_233 = tpu.memref_slice %arg15[%dma_wait3A_231, %dma_wait3A_232] : memref<10096x64xf32, #tpu.memory_space<vmem_shared>> -> memref<10096x64xf32, #tpu.memory_space<vmem_shared>>
      tpu.wait_indirect_dma semaphore(%arg27 : memref<!tpu.dma_semaphore, #tpu.memory_space<semaphore_mem>>) src(%arg14 : memref<128x64xf32, #tpu.memory_space<vmem>>) dst(%dma_wait3A_233 : memref<10096x64xf32, #tpu.memory_space<vmem_shared>>)
      %add3A_234 = arith.constant 2 : i32
      %add3A_235 = arith.addi %add3A_149, %add3A_234 : i32
      %add3A_236 = arith.constant 6 : i32
      %add3A_237 = arith.addi %add3A_235, %add3A_236 : i32
      %lt3A_238 = arith.constant 162 : i32
      %lt3A_239 = arith.cmpi slt, %add3A_237, %lt3A_238 : i32
      %convert_element_type3A_240 = arith.extui %lt3A_239 : i1 to i32
      %cond3A_241 = arith.constant 0 : i32
      %cond3A_242 = arith.cmpi ne, %convert_element_type3A_240, %cond3A_241 : i32
      scf.if %cond3A_242 {
        %dma_start3A_243 = arith.constant 0 : i32
        %dma_start3A_244 = tpu.memref_slice %arg7[%add3A_237, %dma_start3A_243] : memref<162x128xi32, #tpu.memory_space<vmem>> -> memref<1x128xi32, #tpu.memory_space<vmem>>
        %dma_start3A_245 = tpu.memref_squeeze %dma_start3A_244 : memref<1x128xi32, #tpu.memory_space<vmem>> -> memref<128xi32, #tpu.memory_space<vmem>>
        %dma_start3A_246 = arith.constant 0 : i32
        %dma_start3A_247 = arith.constant 0 : i32
        %dma_start3A_248 = tpu.memref_slice %arg2[%dma_start3A_246, %dma_start3A_247] : memref<20000x64xf32, #tpu.memory_space<hbm>> -> memref<20000x64xf32, #tpu.memory_space<hbm>>
        tpu.enqueue_indirect_dma source(%dma_start3A_248 : memref<20000x64xf32, #tpu.memory_space<hbm>>) target(%arg14 : memref<128x64xf32, #tpu.memory_space<vmem>>) offsets(%dma_start3A_245 : memref<128xi32, #tpu.memory_space<vmem>>) semaphore(%arg21 : memref<!tpu.dma_semaphore, #tpu.memory_space<semaphore_mem>>)
      } else {
      }
    }
    %scan3A_49 = arith.constant 27 : i32
    %barrier3A_50 = arith.constant 0 : index
    tpu.barrier barrier_id(%barrier3A_50)
    %mul3A_51 = arith.constant 631 : i32
    %mul3A_52 = arith.muli %arg1, %mul3A_51 : i32
    %mul3A_53 = arith.constant 631 : i32
    %mul3A_54 = arith.muli %arg1, %mul3A_53 : i32
    "tpu.region"() ({
      %run_scoped3A = tpu.sem_alloc : memref<!tpu.dma_semaphore, #tpu.memory_space<semaphore_mem>>
      %dma_start3A_55 = arith.constant 0 : i32
      %dma_start3A_56 = tpu.memref_slice %arg6[%arg0, %mul3A_54, %dma_start3A_55] : memref<2x10096x64xf32, #tpu.memory_space<hbm>> -> memref<1x631x64xf32, #tpu.memory_space<hbm>>
      %dma_start3A_57 = tpu.memref_squeeze %dma_start3A_56 : memref<1x631x64xf32, #tpu.memory_space<hbm>> -> memref<631x64xf32, #tpu.memory_space<hbm>>
      %dma_start3A_58 = arith.constant 0 : i32
      %dma_start3A_59 = tpu.memref_slice %arg15[%mul3A_52, %dma_start3A_58] : memref<10096x64xf32, #tpu.memory_space<vmem_shared>> -> memref<631x64xf32, #tpu.memory_space<vmem_shared>>
      tpu.enqueue_dma source(%dma_start3A_59 : memref<631x64xf32, #tpu.memory_space<vmem_shared>>) target(%dma_start3A_57 : memref<631x64xf32, #tpu.memory_space<hbm>>) target_semaphore(%run_scoped3A : memref<!tpu.dma_semaphore, #tpu.memory_space<semaphore_mem>>)
      %dma_wait3A = arith.constant 0 : i32
      %dma_wait3A_60 = tpu.memref_slice %arg6[%arg0, %mul3A_54, %dma_wait3A] : memref<2x10096x64xf32, #tpu.memory_space<hbm>> -> memref<1x631x64xf32, #tpu.memory_space<hbm>>
      %dma_wait3A_61 = tpu.memref_squeeze %dma_wait3A_60 : memref<1x631x64xf32, #tpu.memory_space<hbm>> -> memref<631x64xf32, #tpu.memory_space<hbm>>
      %dma_wait3A_62 = arith.constant 0 : i32
      %dma_wait3A_63 = tpu.memref_slice %arg15[%mul3A_52, %dma_wait3A_62] : memref<10096x64xf32, #tpu.memory_space<vmem_shared>> -> memref<631x64xf32, #tpu.memory_space<vmem_shared>>
      tpu.wait_dma2 semaphore(%run_scoped3A : memref<!tpu.dma_semaphore, #tpu.memory_space<semaphore_mem>>) src(%dma_wait3A_63 : memref<631x64xf32, #tpu.memory_space<vmem_shared>>) dst(%dma_wait3A_61 : memref<631x64xf32, #tpu.memory_space<hbm>>)
      tpu.yield
    }) : () -> ()
    return
  }
}

module attributes {stable_mosaic.version = 14 : i64} {
  func.func @_mlp_mid_body(%arg0: i32, %arg1: memref<2x2000x64xf32, #tpu.memory_space<vmem>>, %arg2: memref<2x2000x64xf32, #tpu.memory_space<vmem>>, %arg3: memref<128x128xf32, #tpu.memory_space<vmem>>, %arg4: memref<1x128xf32, #tpu.memory_space<vmem>>, %arg5: memref<128x128xf32, #tpu.memory_space<vmem>>, %arg6: memref<1x128xf32, #tpu.memory_space<vmem>>, %arg7: memref<1x128xf32, #tpu.memory_space<vmem>>, %arg8: memref<1x128xf32, #tpu.memory_space<vmem>>, %arg9: memref<2x2000x64xf32, #tpu.memory_space<vmem>>) attributes {dimension_semantics = [#tpu.dimension_semantics<arbitrary>], iteration_bounds = array<i64: 5>, scalar_prefetch = 0 : i64, scratch_operands = 0 : i64, tpu.core_type = #tpu.core_type<tc>, window_params = [{transform_indices = @transform_0, window_bounds = array<i64: 2, 2000, 64>}, {transform_indices = @transform_1, window_bounds = array<i64: 2, 2000, 64>}, {pipeline_mode = #tpu.pipeline_mode<synchronous>, transform_indices = @transform_2, window_bounds = array<i64: 128, 128>}, {pipeline_mode = #tpu.pipeline_mode<synchronous>, transform_indices = @transform_3, window_bounds = array<i64: 1, 128>}, {pipeline_mode = #tpu.pipeline_mode<synchronous>, transform_indices = @transform_4, window_bounds = array<i64: 128, 128>}, {pipeline_mode = #tpu.pipeline_mode<synchronous>, transform_indices = @transform_5, window_bounds = array<i64: 1, 128>}, {pipeline_mode = #tpu.pipeline_mode<synchronous>, transform_indices = @transform_6, window_bounds = array<i64: 1, 128>}, {pipeline_mode = #tpu.pipeline_mode<synchronous>, transform_indices = @transform_7, window_bounds = array<i64: 1, 128>}, {transform_indices = @transform_8, window_bounds = array<i64: 2, 2000, 64>}]} {
    %get3A = arith.constant 0 : index
    %get3A_0 = arith.constant 0 : index
    %get3A_1 = arith.constant 0 : index
    %get3A_2 = vector.load %arg1[%get3A, %get3A_0, %get3A_1] : memref<2x2000x64xf32, #tpu.memory_space<vmem>>, vector<1x2000x64xf32>
    %get3A_3 = vector.shape_cast %get3A_2 : vector<1x2000x64xf32> to vector<2000x64xf32>
    %get3A_4 = arith.constant 0 : index
    %get3A_5 = arith.constant 0 : index
    %get3A_6 = arith.constant 0 : index
    %get3A_7 = vector.load %arg2[%get3A_4, %get3A_5, %get3A_6] : memref<2x2000x64xf32, #tpu.memory_space<vmem>>, vector<1x2000x64xf32>
    %get3A_8 = vector.shape_cast %get3A_7 : vector<1x2000x64xf32> to vector<2000x64xf32>
    %add3A = arith.addf %get3A_3, %get3A_8 : vector<2000x64xf32>
    %get3A_9 = arith.constant 1 : index
    %get3A_10 = arith.constant 0 : index
    %get3A_11 = arith.constant 0 : index
    %get3A_12 = vector.load %arg1[%get3A_9, %get3A_10, %get3A_11] : memref<2x2000x64xf32, #tpu.memory_space<vmem>>, vector<1x2000x64xf32>
    %get3A_13 = vector.shape_cast %get3A_12 : vector<1x2000x64xf32> to vector<2000x64xf32>
    %get3A_14 = arith.constant 1 : index
    %get3A_15 = arith.constant 0 : index
    %get3A_16 = arith.constant 0 : index
    %get3A_17 = vector.load %arg2[%get3A_14, %get3A_15, %get3A_16] : memref<2x2000x64xf32, #tpu.memory_space<vmem>>, vector<1x2000x64xf32>
    %get3A_18 = vector.shape_cast %get3A_17 : vector<1x2000x64xf32> to vector<2000x64xf32>
    %add3A_19 = arith.addf %get3A_13, %get3A_18 : vector<2000x64xf32>
    %concatenate3A = tpu.concatenate %add3A, %add3A_19 in 1 : vector<2000x64xf32>, vector<2000x64xf32> -> vector<2000x128xf32>
    %get3A_20 = arith.constant 0 : index
    %get3A_21 = arith.constant 0 : index
    %get3A_22 = vector.load %arg3[%get3A_20, %get3A_21] : memref<128x128xf32, #tpu.memory_space<vmem>>, vector<128x128xf32>
    %dot_general3A = arith.constant dense<0.000000e+00> : vector<2000x128xf32>
    %dot_general3A_23 = tpu.matmul %concatenate3A, %get3A_22, %dot_general3A {dimension_numbers = #tpu.dot_dimension_numbers<[1], [1], [0], [0], [0, 0, 1, 0], [], []>, transpose_lhs_hint = false} : vector<2000x128xf32>, vector<128x128xf32>, vector<2000x128xf32> -> vector<2000x128xf32>
    %get3A_24 = arith.constant 0 : index
    %get3A_25 = arith.constant 0 : index
    %get3A_26 = vector.load %arg4[%get3A_24, %get3A_25] : memref<1x128xf32, #tpu.memory_space<vmem>>, vector<1x128xf32>
    %add3A_27 = vector.broadcast %get3A_26 : vector<1x128xf32> to vector<2000x128xf32>
    %add3A_28 = arith.addf %dot_general3A_23, %add3A_27 : vector<2000x128xf32>
    %max3A = arith.constant 0.000000e+00 : f32
    %max3A_29 = vector.broadcast %max3A : f32 to vector<2000x128xf32>
    %max3A_30 = arith.maximumf %add3A_28, %max3A_29 : vector<2000x128xf32>
    %get3A_31 = arith.constant 0 : index
    %get3A_32 = arith.constant 0 : index
    %get3A_33 = vector.load %arg5[%get3A_31, %get3A_32] : memref<128x128xf32, #tpu.memory_space<vmem>>, vector<128x128xf32>
    %dot_general3A_34 = arith.constant dense<0.000000e+00> : vector<2000x128xf32>
    %dot_general3A_35 = tpu.matmul %max3A_30, %get3A_33, %dot_general3A_34 {dimension_numbers = #tpu.dot_dimension_numbers<[1], [1], [0], [0], [0, 0, 1, 0], [], []>, transpose_lhs_hint = false} : vector<2000x128xf32>, vector<128x128xf32>, vector<2000x128xf32> -> vector<2000x128xf32>
    %get3A_36 = arith.constant 0 : index
    %get3A_37 = arith.constant 0 : index
    %get3A_38 = vector.load %arg6[%get3A_36, %get3A_37] : memref<1x128xf32, #tpu.memory_space<vmem>>, vector<1x128xf32>
    %add3A_39 = vector.broadcast %get3A_38 : vector<1x128xf32> to vector<2000x128xf32>
    %add3A_40 = arith.addf %dot_general3A_35, %add3A_39 : vector<2000x128xf32>
    %reduce_sum3A = arith.constant dense<0.000000e+00> : vector<2000xf32>
    %reduce_sum3A_41 = vector.multi_reduction <add>, %add3A_40, %reduce_sum3A [1] : vector<2000x128xf32> to vector<2000xf32>
    %broadcast_in_dim3A = vector.shape_cast %reduce_sum3A_41 : vector<2000xf32> to vector<2000x1xf32>
    %div3A = arith.constant 1.280000e+02 : f32
    %div3A_42 = vector.broadcast %div3A : f32 to vector<2000x1xf32>
    %div3A_43 = arith.divf %broadcast_in_dim3A, %div3A_42 : vector<2000x1xf32>
    %sub3A = vector.broadcast %div3A_43 : vector<2000x1xf32> to vector<2000x128xf32>
    %sub3A_44 = arith.subf %add3A_40, %sub3A : vector<2000x128xf32>
    %mul3A = arith.mulf %sub3A_44, %sub3A_44 : vector<2000x128xf32>
    %reduce_sum3A_45 = arith.constant dense<0.000000e+00> : vector<2000xf32>
    %reduce_sum3A_46 = vector.multi_reduction <add>, %mul3A, %reduce_sum3A_45 [1] : vector<2000x128xf32> to vector<2000xf32>
    %broadcast_in_dim3A_47 = vector.shape_cast %reduce_sum3A_46 : vector<2000xf32> to vector<2000x1xf32>
    %div3A_48 = arith.constant 1.280000e+02 : f32
    %div3A_49 = vector.broadcast %div3A_48 : f32 to vector<2000x1xf32>
    %div3A_50 = arith.divf %broadcast_in_dim3A_47, %div3A_49 : vector<2000x1xf32>
    %add3A_51 = arith.constant 9.99999974E-6 : f32
    %add3A_52 = vector.broadcast %add3A_51 : f32 to vector<2000x1xf32>
    %add3A_53 = arith.addf %div3A_50, %add3A_52 : vector<2000x1xf32>
    %rsqrt3A = math.rsqrt %add3A_53 : vector<2000x1xf32>
    %mul3A_54 = vector.broadcast %rsqrt3A : vector<2000x1xf32> to vector<2000x128xf32>
    %mul3A_55 = arith.mulf %sub3A_44, %mul3A_54 : vector<2000x128xf32>
    %get3A_56 = arith.constant 0 : index
    %get3A_57 = arith.constant 0 : index
    %get3A_58 = vector.load %arg7[%get3A_56, %get3A_57] : memref<1x128xf32, #tpu.memory_space<vmem>>, vector<1x128xf32>
    %mul3A_59 = vector.broadcast %get3A_58 : vector<1x128xf32> to vector<2000x128xf32>
    %mul3A_60 = arith.mulf %mul3A_55, %mul3A_59 : vector<2000x128xf32>
    %get3A_61 = arith.constant 0 : index
    %get3A_62 = arith.constant 0 : index
    %get3A_63 = vector.load %arg8[%get3A_61, %get3A_62] : memref<1x128xf32, #tpu.memory_space<vmem>>, vector<1x128xf32>
    %add3A_64 = vector.broadcast %get3A_63 : vector<1x128xf32> to vector<2000x128xf32>
    %add3A_65 = arith.addf %mul3A_60, %add3A_64 : vector<2000x128xf32>
    %max3A_66 = arith.constant 0.000000e+00 : f32
    %max3A_67 = vector.broadcast %max3A_66 : f32 to vector<2000x128xf32>
    %max3A_68 = arith.maximumf %add3A_65, %max3A_67 : vector<2000x128xf32>
    %slice3A = vector.extract_strided_slice %max3A_68 {offsets = [0, 0], sizes = [2000, 64], strides = [1, 1]} : vector<2000x128xf32> to vector<2000x64xf32>
    %swap3A = arith.constant 0 : index
    %swap3A_69 = arith.constant 0 : index
    %swap3A_70 = arith.constant 0 : index
    %swap3A_71 = vector.load %arg9[%swap3A, %swap3A_69, %swap3A_70] : memref<2x2000x64xf32, #tpu.memory_space<vmem>>, vector<1x2000x64xf32>
    %swap3A_72 = vector.shape_cast %swap3A_71 : vector<1x2000x64xf32> to vector<2000x64xf32>
    %swap3A_73 = vector.shape_cast %slice3A : vector<2000x64xf32> to vector<1x2000x64xf32>
    tpu.vector_store %arg9[%swap3A, %swap3A_69, %swap3A_70], %swap3A_73 {strides = array<i32>} : memref<2x2000x64xf32, #tpu.memory_space<vmem>>, vector<1x2000x64xf32>,
    %slice3A_74 = vector.extract_strided_slice %max3A_68 {offsets = [0, 64], sizes = [2000, 64], strides = [1, 1]} : vector<2000x128xf32> to vector<2000x64xf32>
    %swap3A_75 = arith.constant 1 : index
    %swap3A_76 = arith.constant 0 : index
    %swap3A_77 = arith.constant 0 : index
    %swap3A_78 = vector.load %arg9[%swap3A_75, %swap3A_76, %swap3A_77] : memref<2x2000x64xf32, #tpu.memory_space<vmem>>, vector<1x2000x64xf32>
    %swap3A_79 = vector.shape_cast %swap3A_78 : vector<1x2000x64xf32> to vector<2000x64xf32>
    %swap3A_80 = vector.shape_cast %slice3A_74 : vector<2000x64xf32> to vector<1x2000x64xf32>
    tpu.vector_store %arg9[%swap3A_75, %swap3A_76, %swap3A_77], %swap3A_80 {strides = array<i32>} : memref<2x2000x64xf32, #tpu.memory_space<vmem>>, vector<1x2000x64xf32>,
    return
  }
  func.func @transform_0(%arg0: i32) -> (i32, i32, i32) {
    %c0_i32 = arith.constant 0 : i32
    %c0_i32_0 = arith.constant 0 : i32
    %c0_i32_1 = arith.constant 0 : i32
    return %c0_i32, %arg0, %c0_i32_0 : i32, i32, i32
  }
  func.func @transform_1(%arg0: i32) -> (i32, i32, i32) {
    %c0_i32 = arith.constant 0 : i32
    %c0_i32_0 = arith.constant 0 : i32
    %c0_i32_1 = arith.constant 0 : i32
    return %c0_i32, %arg0, %c0_i32_0 : i32, i32, i32
  }
  func.func @transform_2(%arg0: i32) -> (i32, i32) {
    %c0_i32 = arith.constant 0 : i32
    %c0_i32_0 = arith.constant 0 : i32
    %c0_i32_1 = arith.constant 0 : i32
    return %c0_i32, %c0_i32_0 : i32, i32
  }
  func.func @transform_3(%arg0: i32) -> (i32, i32) {
    %c0_i32 = arith.constant 0 : i32
    %c0_i32_0 = arith.constant 0 : i32
    %c0_i32_1 = arith.constant 0 : i32
    return %c0_i32, %c0_i32_0 : i32, i32
  }
  func.func @transform_4(%arg0: i32) -> (i32, i32) {
    %c0_i32 = arith.constant 0 : i32
    %c0_i32_0 = arith.constant 0 : i32
    %c0_i32_1 = arith.constant 0 : i32
    return %c0_i32, %c0_i32_0 : i32, i32
  }
  func.func @transform_5(%arg0: i32) -> (i32, i32) {
    %c0_i32 = arith.constant 0 : i32
    %c0_i32_0 = arith.constant 0 : i32
    %c0_i32_1 = arith.constant 0 : i32
    return %c0_i32, %c0_i32_0 : i32, i32
  }
  func.func @transform_6(%arg0: i32) -> (i32, i32) {
    %c0_i32 = arith.constant 0 : i32
    %c0_i32_0 = arith.constant 0 : i32
    %c0_i32_1 = arith.constant 0 : i32
    return %c0_i32, %c0_i32_0 : i32, i32
  }
  func.func @transform_7(%arg0: i32) -> (i32, i32) {
    %c0_i32 = arith.constant 0 : i32
    %c0_i32_0 = arith.constant 0 : i32
    %c0_i32_1 = arith.constant 0 : i32
    return %c0_i32, %c0_i32_0 : i32, i32
  }
  func.func @transform_8(%arg0: i32) -> (i32, i32, i32) {
    %c0_i32 = arith.constant 0 : i32
    %c0_i32_0 = arith.constant 0 : i32
    %c0_i32_1 = arith.constant 0 : i32
    return %c0_i32, %arg0, %c0_i32_0 : i32, i32, i32
  }
}

module attributes {stable_mosaic.version = 14 : i64} {
  func.func @_mlp_final_body(%arg0: i32, %arg1: memref<2x2000x64xf32, #tpu.memory_space<vmem>>, %arg2: memref<2x2000x64xf32, #tpu.memory_space<vmem>>, %arg3: memref<128x128xf32, #tpu.memory_space<vmem>>, %arg4: memref<1x128xf32, #tpu.memory_space<vmem>>, %arg5: memref<128x128xf32, #tpu.memory_space<vmem>>, %arg6: memref<1x128xf32, #tpu.memory_space<vmem>>, %arg7: memref<1x128xf32, #tpu.memory_space<vmem>>, %arg8: memref<1x128xf32, #tpu.memory_space<vmem>>, %arg9: memref<1x128xf32, #tpu.memory_space<vmem>>, %arg10: memref<1x1xf32, #tpu.memory_space<vmem>>, %arg11: memref<2000x1xf32, #tpu.memory_space<vmem>>) attributes {dimension_semantics = [#tpu.dimension_semantics<arbitrary>], iteration_bounds = array<i64: 5>, scalar_prefetch = 0 : i64, scratch_operands = 0 : i64, tpu.core_type = #tpu.core_type<tc>, window_params = [{transform_indices = @transform_0, window_bounds = array<i64: 2, 2000, 64>}, {transform_indices = @transform_1, window_bounds = array<i64: 2, 2000, 64>}, {pipeline_mode = #tpu.pipeline_mode<synchronous>, transform_indices = @transform_2, window_bounds = array<i64: 128, 128>}, {pipeline_mode = #tpu.pipeline_mode<synchronous>, transform_indices = @transform_3, window_bounds = array<i64: 1, 128>}, {pipeline_mode = #tpu.pipeline_mode<synchronous>, transform_indices = @transform_4, window_bounds = array<i64: 128, 128>}, {pipeline_mode = #tpu.pipeline_mode<synchronous>, transform_indices = @transform_5, window_bounds = array<i64: 1, 128>}, {pipeline_mode = #tpu.pipeline_mode<synchronous>, transform_indices = @transform_6, window_bounds = array<i64: 1, 128>}, {pipeline_mode = #tpu.pipeline_mode<synchronous>, transform_indices = @transform_7, window_bounds = array<i64: 1, 128>}, {pipeline_mode = #tpu.pipeline_mode<synchronous>, transform_indices = @transform_8, window_bounds = array<i64: 1, 128>}, {pipeline_mode = #tpu.pipeline_mode<synchronous>, transform_indices = @transform_9, window_bounds = array<i64: 1, 1>}, {transform_indices = @transform_10, window_bounds = array<i64: 2000, 1>}]} {
    %get3A = arith.constant 0 : index
    %get3A_0 = arith.constant 0 : index
    %get3A_1 = arith.constant 0 : index
    %get3A_2 = vector.load %arg1[%get3A, %get3A_0, %get3A_1] : memref<2x2000x64xf32, #tpu.memory_space<vmem>>, vector<1x2000x64xf32>
    %get3A_3 = vector.shape_cast %get3A_2 : vector<1x2000x64xf32> to vector<2000x64xf32>
    %get3A_4 = arith.constant 0 : index
    %get3A_5 = arith.constant 0 : index
    %get3A_6 = arith.constant 0 : index
    %get3A_7 = vector.load %arg2[%get3A_4, %get3A_5, %get3A_6] : memref<2x2000x64xf32, #tpu.memory_space<vmem>>, vector<1x2000x64xf32>
    %get3A_8 = vector.shape_cast %get3A_7 : vector<1x2000x64xf32> to vector<2000x64xf32>
    %add3A = arith.addf %get3A_3, %get3A_8 : vector<2000x64xf32>
    %get3A_9 = arith.constant 1 : index
    %get3A_10 = arith.constant 0 : index
    %get3A_11 = arith.constant 0 : index
    %get3A_12 = vector.load %arg1[%get3A_9, %get3A_10, %get3A_11] : memref<2x2000x64xf32, #tpu.memory_space<vmem>>, vector<1x2000x64xf32>
    %get3A_13 = vector.shape_cast %get3A_12 : vector<1x2000x64xf32> to vector<2000x64xf32>
    %get3A_14 = arith.constant 1 : index
    %get3A_15 = arith.constant 0 : index
    %get3A_16 = arith.constant 0 : index
    %get3A_17 = vector.load %arg2[%get3A_14, %get3A_15, %get3A_16] : memref<2x2000x64xf32, #tpu.memory_space<vmem>>, vector<1x2000x64xf32>
    %get3A_18 = vector.shape_cast %get3A_17 : vector<1x2000x64xf32> to vector<2000x64xf32>
    %add3A_19 = arith.addf %get3A_13, %get3A_18 : vector<2000x64xf32>
    %concatenate3A = tpu.concatenate %add3A, %add3A_19 in 1 : vector<2000x64xf32>, vector<2000x64xf32> -> vector<2000x128xf32>
    %get3A_20 = arith.constant 0 : index
    %get3A_21 = arith.constant 0 : index
    %get3A_22 = vector.load %arg3[%get3A_20, %get3A_21] : memref<128x128xf32, #tpu.memory_space<vmem>>, vector<128x128xf32>
    %dot_general3A = arith.constant dense<0.000000e+00> : vector<2000x128xf32>
    %dot_general3A_23 = tpu.matmul %concatenate3A, %get3A_22, %dot_general3A {dimension_numbers = #tpu.dot_dimension_numbers<[1], [1], [0], [0], [0, 0, 1, 0], [], []>, transpose_lhs_hint = false} : vector<2000x128xf32>, vector<128x128xf32>, vector<2000x128xf32> -> vector<2000x128xf32>
    %get3A_24 = arith.constant 0 : index
    %get3A_25 = arith.constant 0 : index
    %get3A_26 = vector.load %arg4[%get3A_24, %get3A_25] : memref<1x128xf32, #tpu.memory_space<vmem>>, vector<1x128xf32>
    %add3A_27 = vector.broadcast %get3A_26 : vector<1x128xf32> to vector<2000x128xf32>
    %add3A_28 = arith.addf %dot_general3A_23, %add3A_27 : vector<2000x128xf32>
    %max3A = arith.constant 0.000000e+00 : f32
    %max3A_29 = vector.broadcast %max3A : f32 to vector<2000x128xf32>
    %max3A_30 = arith.maximumf %add3A_28, %max3A_29 : vector<2000x128xf32>
    %get3A_31 = arith.constant 0 : index
    %get3A_32 = arith.constant 0 : index
    %get3A_33 = vector.load %arg5[%get3A_31, %get3A_32] : memref<128x128xf32, #tpu.memory_space<vmem>>, vector<128x128xf32>
    %dot_general3A_34 = arith.constant dense<0.000000e+00> : vector<2000x128xf32>
    %dot_general3A_35 = tpu.matmul %max3A_30, %get3A_33, %dot_general3A_34 {dimension_numbers = #tpu.dot_dimension_numbers<[1], [1], [0], [0], [0, 0, 1, 0], [], []>, transpose_lhs_hint = false} : vector<2000x128xf32>, vector<128x128xf32>, vector<2000x128xf32> -> vector<2000x128xf32>
    %get3A_36 = arith.constant 0 : index
    %get3A_37 = arith.constant 0 : index
    %get3A_38 = vector.load %arg6[%get3A_36, %get3A_37] : memref<1x128xf32, #tpu.memory_space<vmem>>, vector<1x128xf32>
    %add3A_39 = vector.broadcast %get3A_38 : vector<1x128xf32> to vector<2000x128xf32>
    %add3A_40 = arith.addf %dot_general3A_35, %add3A_39 : vector<2000x128xf32>
    %reduce_sum3A = arith.constant dense<0.000000e+00> : vector<2000xf32>
    %reduce_sum3A_41 = vector.multi_reduction <add>, %add3A_40, %reduce_sum3A [1] : vector<2000x128xf32> to vector<2000xf32>
    %broadcast_in_dim3A = vector.shape_cast %reduce_sum3A_41 : vector<2000xf32> to vector<2000x1xf32>
    %div3A = arith.constant 1.280000e+02 : f32
    %div3A_42 = vector.broadcast %div3A : f32 to vector<2000x1xf32>
    %div3A_43 = arith.divf %broadcast_in_dim3A, %div3A_42 : vector<2000x1xf32>
    %sub3A = vector.broadcast %div3A_43 : vector<2000x1xf32> to vector<2000x128xf32>
    %sub3A_44 = arith.subf %add3A_40, %sub3A : vector<2000x128xf32>
    %mul3A = arith.mulf %sub3A_44, %sub3A_44 : vector<2000x128xf32>
    %reduce_sum3A_45 = arith.constant dense<0.000000e+00> : vector<2000xf32>
    %reduce_sum3A_46 = vector.multi_reduction <add>, %mul3A, %reduce_sum3A_45 [1] : vector<2000x128xf32> to vector<2000xf32>
    %broadcast_in_dim3A_47 = vector.shape_cast %reduce_sum3A_46 : vector<2000xf32> to vector<2000x1xf32>
    %div3A_48 = arith.constant 1.280000e+02 : f32
    %div3A_49 = vector.broadcast %div3A_48 : f32 to vector<2000x1xf32>
    %div3A_50 = arith.divf %broadcast_in_dim3A_47, %div3A_49 : vector<2000x1xf32>
    %add3A_51 = arith.constant 9.99999974E-6 : f32
    %add3A_52 = vector.broadcast %add3A_51 : f32 to vector<2000x1xf32>
    %add3A_53 = arith.addf %div3A_50, %add3A_52 : vector<2000x1xf32>
    %rsqrt3A = math.rsqrt %add3A_53 : vector<2000x1xf32>
    %mul3A_54 = vector.broadcast %rsqrt3A : vector<2000x1xf32> to vector<2000x128xf32>
    %mul3A_55 = arith.mulf %sub3A_44, %mul3A_54 : vector<2000x128xf32>
    %get3A_56 = arith.constant 0 : index
    %get3A_57 = arith.constant 0 : index
    %get3A_58 = vector.load %arg7[%get3A_56, %get3A_57] : memref<1x128xf32, #tpu.memory_space<vmem>>, vector<1x128xf32>
    %mul3A_59 = vector.broadcast %get3A_58 : vector<1x128xf32> to vector<2000x128xf32>
    %mul3A_60 = arith.mulf %mul3A_55, %mul3A_59 : vector<2000x128xf32>
    %get3A_61 = arith.constant 0 : index
    %get3A_62 = arith.constant 0 : index
    %get3A_63 = vector.load %arg8[%get3A_61, %get3A_62] : memref<1x128xf32, #tpu.memory_space<vmem>>, vector<1x128xf32>
    %add3A_64 = vector.broadcast %get3A_63 : vector<1x128xf32> to vector<2000x128xf32>
    %add3A_65 = arith.addf %mul3A_60, %add3A_64 : vector<2000x128xf32>
    %max3A_66 = arith.constant 0.000000e+00 : f32
    %max3A_67 = vector.broadcast %max3A_66 : f32 to vector<2000x128xf32>
    %max3A_68 = arith.maximumf %add3A_65, %max3A_67 : vector<2000x128xf32>
    %get3A_69 = arith.constant 0 : index
    %get3A_70 = arith.constant 0 : index
    %get3A_71 = vector.load %arg9[%get3A_69, %get3A_70] : memref<1x128xf32, #tpu.memory_space<vmem>>, vector<1x128xf32>
    %mul3A_72 = vector.broadcast %get3A_71 : vector<1x128xf32> to vector<2000x128xf32>
    %mul3A_73 = arith.mulf %max3A_68, %mul3A_72 : vector<2000x128xf32>
    %reduce_sum3A_74 = arith.constant dense<0.000000e+00> : vector<2000xf32>
    %reduce_sum3A_75 = vector.multi_reduction <add>, %mul3A_73, %reduce_sum3A_74 [1] : vector<2000x128xf32> to vector<2000xf32>
    %broadcast_in_dim3A_76 = vector.shape_cast %reduce_sum3A_75 : vector<2000xf32> to vector<2000x1xf32>
    %get3A_77 = arith.constant 0 : index
    %get3A_78 = arith.constant 0 : index
    %get3A_79 = vector.load %arg10[%get3A_77, %get3A_78] : memref<1x1xf32, #tpu.memory_space<vmem>>, vector<1x1xf32>
    %get3A_80 = vector.extract %get3A_79[0, 0] : f32 from vector<1x1xf32>
    %add3A_81 = vector.broadcast %get3A_80 : f32 to vector<2000x1xf32>
    %add3A_82 = arith.addf %broadcast_in_dim3A_76, %add3A_81 : vector<2000x1xf32>
    %swap3A = arith.constant 0 : index
    %swap3A_83 = arith.constant 0 : index
    %swap3A_84 = vector.load %arg11[%swap3A, %swap3A_83] : memref<2000x1xf32, #tpu.memory_space<vmem>>, vector<2000x1xf32>
    tpu.vector_store %arg11[%swap3A, %swap3A_83], %add3A_82 {strides = array<i32>} : memref<2000x1xf32, #tpu.memory_space<vmem>>, vector<2000x1xf32>,
    return
  }
  func.func @transform_0(%arg0: i32) -> (i32, i32, i32) {
    %c0_i32 = arith.constant 0 : i32
    %c0_i32_0 = arith.constant 0 : i32
    %c0_i32_1 = arith.constant 0 : i32
    return %c0_i32, %arg0, %c0_i32_0 : i32, i32, i32
  }
  func.func @transform_1(%arg0: i32) -> (i32, i32, i32) {
    %c0_i32 = arith.constant 0 : i32
    %c0_i32_0 = arith.constant 0 : i32
    %c0_i32_1 = arith.constant 0 : i32
    return %c0_i32, %arg0, %c0_i32_0 : i32, i32, i32
  }
  func.func @transform_2(%arg0: i32) -> (i32, i32) {
    %c0_i32 = arith.constant 0 : i32
    %c0_i32_0 = arith.constant 0 : i32
    %c0_i32_1 = arith.constant 0 : i32
    return %c0_i32, %c0_i32_0 : i32, i32
  }
  func.func @transform_3(%arg0: i32) -> (i32, i32) {
    %c0_i32 = arith.constant 0 : i32
    %c0_i32_0 = arith.constant 0 : i32
    %c0_i32_1 = arith.constant 0 : i32
    return %c0_i32, %c0_i32_0 : i32, i32
  }
  func.func @transform_4(%arg0: i32) -> (i32, i32) {
    %c0_i32 = arith.constant 0 : i32
    %c0_i32_0 = arith.constant 0 : i32
    %c0_i32_1 = arith.constant 0 : i32
    return %c0_i32, %c0_i32_0 : i32, i32
  }
  func.func @transform_5(%arg0: i32) -> (i32, i32) {
    %c0_i32 = arith.constant 0 : i32
    %c0_i32_0 = arith.constant 0 : i32
    %c0_i32_1 = arith.constant 0 : i32
    return %c0_i32, %c0_i32_0 : i32, i32
  }
  func.func @transform_6(%arg0: i32) -> (i32, i32) {
    %c0_i32 = arith.constant 0 : i32
    %c0_i32_0 = arith.constant 0 : i32
    %c0_i32_1 = arith.constant 0 : i32
    return %c0_i32, %c0_i32_0 : i32, i32
  }
  func.func @transform_7(%arg0: i32) -> (i32, i32) {
    %c0_i32 = arith.constant 0 : i32
    %c0_i32_0 = arith.constant 0 : i32
    %c0_i32_1 = arith.constant 0 : i32
    return %c0_i32, %c0_i32_0 : i32, i32
  }
  func.func @transform_8(%arg0: i32) -> (i32, i32) {
    %c0_i32 = arith.constant 0 : i32
    %c0_i32_0 = arith.constant 0 : i32
    %c0_i32_1 = arith.constant 0 : i32
    return %c0_i32, %c0_i32_0 : i32, i32
  }
  func.func @transform_9(%arg0: i32) -> (i32, i32) {
    %c0_i32 = arith.constant 0 : i32
    %c0_i32_0 = arith.constant 0 : i32
    %c0_i32_1 = arith.constant 0 : i32
    return %c0_i32, %c0_i32_0 : i32, i32
  }
  func.func @transform_10(%arg0: i32) -> (i32, i32) {
    %c0_i32 = arith.constant 0 : i32
    %c0_i32_0 = arith.constant 0 : i32
    return %arg0, %c0_i32 : i32, i32
  }
}

</mosaic_0001>

<sc_bundles>
// kernel: kernel.6.cloned.1.call-start
scs
__scs_entry_jumppad:
0x0: {  	(pc) =	sbr.rel $0x88, $3  }
0x1: {  	(tag) =	ssettag $0x0;
	lr =	simm.s32 $0x1  }
0x2: {  	[smem:$0x3F91] =	sst lr;
	_ =	strace $0xD0000000  }
0x3: {  	_ = 	snop  }
0x4: {  	_ = 	snop  }
0x5: {  	_ = 	snop  }
0x6: {  	_ = 	snop  }
0x7: {  	_ = 	snop  }
__scs_overlays_trampoline_lowered:
0x8: {  	[smem:$0x3FA0] =	sst s0  }
0x9: {  	[smem:$0x3FA1] =	sst s1  }
0xa: {  	[smem:$0x3FA2] =	sst s2  }
0xb: {  	[smem:$0x3FA3] =	sst s3  }
0xc: {  	[smem:$0x3FA4] =	sst s4  }
0xd: {  	[smem:$0x3FA5] =	sst s5  }
0xe: {  	[smem:$0x3FA6] =	sst s6  }
0xf: {  	[smem:$0x3FA7] =	sst s7  }
0x10: {  	[smem:$0x3FA8] =	sst s8  }
0x11: {  	[smem:$0x3FA9] =	sst s9;
	s0 =	simm.s32 @!p0 $0x0  }
0x12: {  	s1 =	sld [smem:$0x3F8F];
	s0 =	simm.s32 @p0 $0x1  }
0x13: {  	[smem:$0x3FAA] =	sst s0;
	s0 =	simm.s32 @!p1 $0x0  }
0x14: {  	s2 =	sld [smem:$0x3F8E];
	s0 =	simm.s32 @p1 $0x1  }
0x15: {  	[smem:$0x3FAB] =	sst s0;
	s0 =	simm.s32 @!p2 $0x0  }
0x16: {  	s3 =	sld [smem:$0x3FDB];
	s0 =	simm.s32 @p2 $0x1  }
0x17: {  	s4 =	simm.s32 $0x1BF5;
	[smem:$0x3FAD] =	sst s0  }
0x18: {  	s0 =	sld [smem:$0x3F90];
	_ =	swait.ge [sflag:s4], $0x0  }
0x19: {  	s7 =	sld [smem:$0x3F91]  }
0x1a: {  	s8 =	sadd.s32 $0xFFFFE003, lr  }
0x1b: {  	s9 =	sadd.s32 $0xFFFFFEF7, lr;
	s5 =	simm.s32 $0xFFFFFFFF;
	p2 =	slt.u32 s8, $0xFFFFF086  }
0x1c: {  	p1 =	slt.u32 s9, $0xF7A;
	s5 =	simm.s32 @!p2 $0x0  }
0x1d: {  	s5 =	simm.s32 @p1 $0x1;
	p0 =	seq.s32 s7, s2  }
0x1e: {  	s7 =	smul.u32 @!p0 $0xF7A, s2;
	p2 =	seq.s32 @!p0 s5, $0x0  }
0x1f: {  	s9 =	smul.u32 $0xF7A, s1;
	s8 =	simm.s32 @!p0 $0x1BF5;
	p2 =	por !p2, p0  }
0x20: {  	[sflag:s8] =	ssyncset.s32 @!p0 $0xFFFFF086;
	s6 =	sadd.s32 @!p0 s3, s7;
	s7 =	simm.s32 @!p0 $0x108  }
0x21: {  	s3 =	sadd.s32 s3, s9;
	s6 =	sadd.s32 @!p0 $0x88, s6;
	s7 =	simm.s32 @p2 $0x1082  }
0x22: {  	[simem:s7], [sflag:s8] =	dma.local @!p0 [hbm:s6], $0xF7A  }
0x23: {  	s9 =	sor.u32 $0xD0000000, s2;
	s6 =	simm.s32 $0x108;
	_ =	swait.ge @!p0 [sflag:s8], $0x0  }
0x24: {  	s3 =	sadd.s32 $0x88, s3;
	s6 =	simm.s32 @!p1 $0x1082;
	[sflag:s4] =	ssyncset.s32 $0xFFFFF086  }
0x25: {  	[simem:s6], [sflag:s4] =	dma.local [hbm:s3], $0xF7A  }
0x26: {  	[smem:$0x3F91] =	sst s1;
	(tag) =	ssettag s2;
	_ =	strace s9  }
0x27: {  	s1 =	sld [smem:$0x3FA1]  }
0x28: {  	s2 =	sld [smem:$0x3FA2]  }
0x29: {  	s4 =	sld [smem:$0x3FA4]  }
0x2a: {  	p0 =	seq.s32 s5, $0x0;
	s5 =	sld [smem:$0x3FA5]  }
0x2b: {  	s6 =	sld [smem:$0x3FA6]  }
0x2c: {  	s7 =	sld [smem:$0x3FA7]  }
0x2d: {  	s3 =	simm.s32 $0x108;
	s8 =	sld [smem:$0x3FA8]  }
0x2e: {  	s3 =	simm.s32 @!p0 $0x1082;
	s9 =	sld [smem:$0x3FA9]  }
0x2f: {  	lr =	sadd.s32 s0, s3;
	s0 =	sld [smem:$0x3FA0]  }
0x30: {  	s3 =	sld [smem:$0x3FA3]  }
0x31: {  	[smem:$0x3FAC] =	sst s10  }
0x32: {  	s10 =	sld [smem:$0x3FAA];
	_ =	sdelay $0x3  }
0x33: {  	p0 =	seq.s32 s10, $0x1;
	s10 =	sld [smem:$0x3FAC];
	_ =	sdelay $0x3  }
0x34: {  	[smem:$0x3FAC] =	sst s10  }
0x35: {  	s10 =	sld [smem:$0x3FAB];
	_ =	sdelay $0x3  }
0x36: {  	p1 =	seq.s32 s10, $0x1;
	s10 =	sld [smem:$0x3FAC];
	_ =	sdelay $0x3  }
0x37: {  	[smem:$0x3FAC] =	sst s10  }
0x38: {  	s10 =	sld [smem:$0x3FAD]  }
0x39: {  	_ = 	snop;
	(pc) =	sbr.ind lr, $3  }
0x3a: {  	_ = 	snop  }
0x3b: {  	_ = 	snop  }
0x3c: {  	p2 =	seq.s32 s10, $0x1;
	s10 =	sld [smem:$0x3FAC]  }
0x3d: {  	_ =	shalt  }
0x3e: {  	_ =	shalt  }
0x3f: {  	_ =	shalt  }
0x40: {  	_ =	shalt  }
0x41: {  	_ =	shalt  }
0x42: {  	_ =	shalt  }
0x43: {  	_ =	shalt  }
0x44: {  	_ =	shalt  }
0x45: {  	_ =	shalt  }
0x46: {  	_ =	shalt  }
0x47: {  	_ =	shalt  }
0x48: {  	_ =	shalt  }
0x49: {  	_ =	shalt  }
0x4a: {  	_ =	shalt  }
0x4b: {  	_ =	shalt  }
0x4c: {  	_ =	shalt  }
0x4d: {  	_ =	shalt  }
0x4e: {  	_ =	shalt  }
0x4f: {  	_ =	shalt  }
0x50: {  	_ =	shalt  }
0x51: {  	_ =	shalt  }
0x52: {  	_ =	shalt  }
0x53: {  	_ =	shalt  }
0x54: {  	_ =	shalt  }
0x55: {  	_ =	shalt  }
0x56: {  	_ =	shalt  }
0x57: {  	_ =	shalt  }
0x58: {  	_ =	shalt  }
0x59: {  	_ =	shalt  }
0x5a: {  	_ =	shalt  }
0x5b: {  	_ =	shalt  }
0x5c: {  	_ =	shalt  }
0x5d: {  	_ =	shalt  }
0x5e: {  	_ =	shalt  }
0x5f: {  	_ =	shalt  }
0x60: {  	_ =	shalt  }
0x61: {  	_ =	shalt  }
0x62: {  	_ =	shalt  }
0x63: {  	_ =	shalt  }
0x64: {  	_ =	shalt  }
0x65: {  	_ =	shalt  }
0x66: {  	_ =	shalt  }
0x67: {  	_ =	shalt  }
0x68: {  	_ =	shalt  }
0x69: {  	_ =	shalt  }
0x6a: {  	_ =	shalt  }
0x6b: {  	_ =	shalt  }
0x6c: {  	_ =	shalt  }
0x6d: {  	_ =	shalt  }
0x6e: {  	_ =	shalt  }
0x6f: {  	_ =	shalt  }
0x70: {  	_ =	shalt  }
0x71: {  	_ =	shalt  }
0x72: {  	_ =	shalt  }
0x73: {  	_ =	shalt  }
0x74: {  	_ =	shalt  }
0x75: {  	_ =	shalt  }
0x76: {  	_ =	shalt  }
0x77: {  	_ =	shalt  }
0x78: {  	_ =	shalt  }
0x79: {  	_ =	shalt  }
0x7a: {  	_ =	shalt  }
0x7b: {  	_ =	shalt  }
0x7c: {  	_ =	shalt  }
0x7d: {  	_ =	shalt  }
0x7e: {  	_ =	shalt  }
0x7f: {  	_ =	shalt  }
0x80: {  	_ =	shalt  }
0x81: {  	_ =	shalt  }
0x82: {  	_ =	shalt  }
0x83: {  	_ =	shalt  }
0x84: {  	_ =	shalt  }
0x85: {  	_ =	shalt  }
0x86: {  	_ =	shalt  }
0x87: {  	_ =	shalt  }
.Lfunc_end0:
.L_simem_size_0:
called_computation_lowered:
.L_overlay_start_0:
0x88: {  	s2 =	sld [smem:$0x3FD9]  }
0x89: {  	s3 =	sld [smem:$0x3FFE];
	_ =	sdelay $0x1  }
0x8a: {  	s1 =	srdreg.scid  }
0x8b: {  	s0 =	sand.u32 $0x1, s1  }
0x8c: {  	s16 =	sshll.u32 s0, $0xA;
	s2 =	sadd.s32 s3, s2  }
0x8d: {  	s2 =	sadd.s32 s2, s16  }
0x8e: {  	[smem:$0x3FB8] =	sst s2  }
0x8f: {  	_ = 	snop  }
0x90: {  	(tm) =	ssettm $0x1  }
0x91: {  	s17 =	sld [smem:$0x3FFB];
	_ =	sdelay $0x3  }
0x92: {  	_ =	strace s17  }
0x93: {  	s2 =	sld [smem:$0x3FFC];
	_ =	sdelay $0x3  }
0x94: {  	_ =	strace s2  }
0x95: {  	s2 =	sld [smem:$0x3FFD];
	_ =	sdelay $0x3  }
0x96: {  	_ =	strace s2  }
0x97: {  	_ =	strace $0x8FFFFFFF  }
0x98: {  	s18 =	sld [smem:$0x3FDB];
	_ =	sdelay $0x1  }
0x99: {  	s19 =	simm.s32 $_scs_section_size  }
0x9a: {  	s4 =	simm.s32 $_size__tile_overlayer_lowered;
	s5 =	simm.s32 $_tile_overlayer_lowered  }
0x9b: {  	s22 =	simm.s32 $0x1BFF;
	s21 =	sshll.u32 s5, $0x1;
	s2 =	sadd.s32 s19, s18  }
0x9c: {  	s6 =	simm.s32 $0x0;
	s20 =	sshll.u32 s4, $0x1;
	s4 =	sadd.s32 s21, s2  }
0x9d: {  	[timem:s6], [sflag:s22] =	dma.local [hbm:s4], s20  }
0x9e: {  	_ =	swait.ge [sflag:s22], s20  }
0x9f: {  	s3 =	ssub.s32 $0x0, s20;
	[sflag:s22] =	ssyncset.done $0x0  }
0xa0: {  	[sflag:s22] =	ssyncadd.s32 s3;
	_ =	sdelay $0x1  }
0xa1: {  	s23 =	simm.s32 $0x1B8B  }
0xa2: {  	_ =	swait.ge [sflag:s23], $0x1  }
0xa3: {  	[sflag:s23] =	ssyncset.done $0x0  }
0xa4: {  	s25 =	simm.s32 $0x1B8E;
	s24 =	sld [smem:$0x3FFE];
	[sflag:s23] =	ssyncadd.s32 $0xFFFFFFFF  }
0xa5: {  	s26 =	simm.s32 $execute0_lowered;
	[smem:$0x3FD2] =	sst s25  }
0xa6: {  	s4 =	sshll.u32 s26, $0x1;
	_ =	strace $0x80000046;
	[dreg:$0x1] =	wrdreg $0xFFFFFFFF  }
0xa7: {  	s28 =	simm.s32 $_size_execute0_lowered;
	s2 =	sadd.s32 s2, s4;
	[dreg:$0x0] =	wrdreg $0x0  }
0xa8: {  	s4 =	sshll.u32 s28, $0x1;
	[dreg:$0x2] =	wrdreg s2  }
0xa9: {  	[dreg:$0x3] =	wrdreg s4  }
0xaa: {  	[dreg:$0x4] =	wrdreg $0xC0  }
0xab: {  	_ =	task [dreg:s6], $0x5FFFF  }
0xac: {  	[dreg:$0x1] =	wrdreg $0xFFFFFFFF  }
0xad: {  	[dreg:$0x0] =	wrdreg $0x60  }
0xae: {  	[dreg:$0x2] =	wrdreg s24  }
0xaf: {  	[dreg:$0x3] =	wrdreg $0x162000  }
0xb0: {  	[dreg:$0x4] =	wrdreg $0x9  }
0xb1: {  	_ =	task.clear_ibuf [dreg:s6], $0x5FFFF;
	_ =	strace $0x90000046  }
0xb2: {  	s29 =	simm.s32 $0x9;
	_ =	strace $0x80000048  }
0xb3: {  	_ =	swait.ge [sflag:s29], $0x1  }
0xb4: {  	[sflag:s29] =	ssyncadd.s32 $0xFFFFFFFF  }
0xb5: {  	_ =	strace $0x90000048  }
0xb6: {  	_ =	sfence  }
0xb7: {  	s30 =	sld [smem:$0x0];
	_ =	sdelay $0x2  }
0xb8: {  	s31 =	sshll.u32 s1, $0xD;
	s1 =	sshrl.u32 s1, $0x2  }
0xb9: {  	s3 =	sand.u32 $0x4000, s31;
	s1 =	sadd.s32 s1, s30  }
0xba: {  	s0 =	sor.u32 s3, s0;
	s1 =	sshll.u32 s1, $0x11  }
0xbb: {  	s0 =	sor.u32 s1, s0  }
0xbc: {  	s0 =	sadd.s32 $0x8F2B, s0  }
0xbd: {  	[sflag:s0] =	ssyncadd.remote.s32 $0x1  }
0xbe: {  	_ =	sfence.sel $0xFFFF  }
0xbf: {  	[dreg:$0x0] =	wrdreg $0xFFFFFFFF;
	(pc) =	sbr.abs _section_cstart, $3  }
0xc0: {  	[dreg:$0x1] =	wrdreg $0xFFFFFFFF  }
0xc1: {  	_ =	task.clear_ibuf [dreg:s6], $0x2FFFF;
	_ =	strace $0x9FFFFFFF  }
0xc2: {  	(tm) =	ssettm $0x7FFFFFFF  }
0xc3: {  	_ =	shalt  }
tec
execute0_lowered:
.L_overlay_start_1:
0x0: {  	(tag) =	ssettag $0x1  }
0x1: {  	s0 =	rddreg [dreg:$0x0];
	s1 =	srdreg.scid  }
0x2: {  	s11 =	stileid.u32;
	s2 =	rddreg [dreg:$0x1];
	s3 =	simm.s32 $0x0  }
0x3: {  	s10 =	simm.s32 $0xD;
	s12 =	simm.s32 $0x80;
	s13 =	simm.s32 $0xA200  }
0x4: {  	s14 =	simm.s32 $0xC200;
	s16 =	simm.s32 $0xE200;
	s18 =	simm.s32 $0x10200  }
0x5: {  	s20 =	simm.s32 $0x12200;
	s22 =	simm.s32 $0x14200;
	s28 =	simm.s32 $0x3  }
0x6: {  	s29 =	simm.s32 $0x7;
	s30 =	simm.s32 $0x8;
	s31 =	simm.s32 $0x9  }
0x7: {  	s15 =	simm.s32 $0xA;
	s17 =	simm.s32 $0xB;
	s19 =	simm.s32 $0xC  }
0x8: {  	s21 =	simm.s32 $0x0;
	s1 =	sand.u32 $0x1, s1;
	s5 =	smul.u32 $0x5100, s11  }
0x9: {  	[smem:$0x7FF] =	sst s3;
	s6 =	smul.u32 $0x9DC0, s11;
	s26 =	sshll.u32 s11, $0x6  }
0xa: {  	s11 =	simm.s32 $0x6;
	s4 =	smul.u32 $0x51000, s1;
	_ =	strace $0x80000047  }
0xb: {  	s8 =	smul.u32 $0x9DC00, s1;
	s1 =	ssub.s32 $0x2, s1;
	s9 =	sshrl.u32 s6, $0x3  }
0xc: {  	s23 =	sshrl.u32 s1, $0x1;
	s24 =	sadd.s32 s6, s2;
	s7 =	sadd.s32 s5, s4  }
0xd: {  	s4 =	sadd.s32 $0x16200, s0;
	s5 =	sshrl.u32 s5, $0x3;
	s8 =	sadd.s32 s6, s8  }
0xe: {  	s9 =	sadd.s32 s9, s0;
	s1 =	ssub.s32 s1, s23;
	s23 =	sor.u32 $0x1C0D, s26  }
0xf: {  	s24 =	sshrl.u32 s24, $0x3;
	s26 =	simm.s32 $0x2;
	s7 =	sshrl.u32 s7, $0x3  }
0x10: {  	s5 =	sadd.s32 s5, s0;
	s8 =	sshrl.u32 s8, $0x3;
	s25 =	sadd.s32 $0x47600, s9  }
0x11: {  	s9 =	smax.u32 s1, $0x1;
	s1 =	simm.s32 $0x4;
	s7 =	sadd.s32 s7, s0  }
0x12: {  	s0 =	sadd.s32 s8, s0;
	s5 =	sadd.s32 $0x3D400, s5;
	[dreg:$0x5] =	wrdreg s25  }
0x13: {  	s25 =	simm.s32 $0x1;
	s7 =	sadd.s32 $0x1E00, s7;
	[dreg:$0x4] =	wrdreg s5  }
0x14: {  	s8 =	sadd.s32 $0x5B200, s0;
	s0 =	simm.s32 $0x5;
	[dreg:$0x3] =	wrdreg s7  }
.LBB2_1:
0x15: {  	s5 =	rddreg [dreg:$0x3]  }
0x16: {  	[tilespmem:s3], [sflag:$0xD] =	stream.linear.gather [hbm4b:s5+s3], $0x5100, $0x38;
	v63 =	vld [tilespmem:$0x0]  }
0x17: {  	_ =	swait.ge [sflag:s10], $0x5100  }
0x18: {  	[sflag:s10] =	ssyncset.done $0x0  }
0x19: {  	s6 =	simm.s32 $0x5100;
	s7 =	rddreg [dreg:$0x4];
	[sflag:s10] =	ssyncadd.s32 $0xFFFFAF00  }
0x1a: {  	[tilespmem:s6], [sflag:$0xD] =	stream.linear.gather [hbm4b:s7+s3], $0x5100, $0x38;
	v63 =	vld [tilespmem:$0x0]  }
0x1b: {  	_ =	swait.ge [sflag:s10], $0x5100  }
0x1c: {  	[sflag:s10] =	ssyncset.done $0x0  }
0x1d: {  	[sflag:s10] =	ssyncadd.s32 $0xFFFFAF00  }
0x1e: {  	[tilespmem:s13], [sflag:$0x1] =	stream.indirect.gather [hbm4b:s4+s12], $0x40, s3, s12, $0xb8;
	v63 =	vld [tilespmem:$0x0]  }
0x1f: {  	_ = 	snop  }
0x20: {  	[tilespmem:s14], [sflag:$0x2] =	stream.indirect.gather [hbm4b:s4+s12], $0x40, s12, s12, $0xb8;
	v63 =	vld [tilespmem:$0x0]  }
0x21: {  	s6 =	simm.s32 $0x100  }
0x22: {  	[tilespmem:s16], [sflag:$0x3] =	stream.indirect.gather [hbm4b:s4+s12], $0x40, s6, s12, $0xb8;
	v63 =	vld [tilespmem:$0x0]  }
0x23: {  	s7 =	simm.s32 $0x180  }
0x24: {  	[tilespmem:s18], [sflag:$0x4] =	stream.indirect.gather [hbm4b:s4+s12], $0x40, s7, s12, $0xb8;
	v63 =	vld [tilespmem:$0x0]  }
0x25: {  	s6 =	simm.s32 $0x200  }
0x26: {  	[tilespmem:s20], [sflag:$0x5] =	stream.indirect.gather [hbm4b:s4+s12], $0x40, s6, s12, $0xb8;
	v63 =	vld [tilespmem:$0x0]  }
0x27: {  	s7 =	simm.s32 $0x280  }
0x28: {  	[tilespmem:s22], [sflag:$0x6] =	stream.indirect.gather [hbm4b:s4+s12], $0x40, s7, s12, $0xb8;
	v63 =	vld [tilespmem:$0x0]  }
0x29: {  	[bflag:$0x0] =	sbarrier.arrive $0xFFFF  }
0x2a: {  	s6 =	rddreg [dreg:$0x5]  }
0x2b: {  	[spmem:s24], [sflag:s23] =	dma.local [hbm:s6], $0x13B8  }
0x2c: {  	_ =	swait.ge [sflag:s10], $0x13B8  }
0x2d: {  	[sflag:s10] =	ssyncset.done $0x0  }
0x2e: {  	[sflag:s10] =	ssyncadd.s32 $0xFFFFEC48  }
0x2f: {  	[bflag:$0x0] =	sbarrier.arrive $0xFFFF  }
0x30: {  	_ =	swait.ge [sflag:s25], $0x2000  }
0x31: {  	[sflag:s25] =	ssyncset.done $0x0  }
0x32: {  	[sflag:s25] =	ssyncadd.s32 $0xFFFFE000  }
0x33: {  	_ =	swait.ge [sflag:s26], $0x2000  }
0x34: {  	[sflag:s26] =	ssyncset.done $0x0  }
0x35: {  	[sflag:s26] =	ssyncadd.s32 $0xFFFFE000  }
0x36: {  	_ =	swait.ge [sflag:s28], $0x2000  }
0x37: {  	[sflag:s28] =	ssyncset.done $0x0  }
0x38: {  	s7 =	simm.s32 $0x5100;
	[sflag:s28] =	ssyncadd.s32 $0xFFFFE000  }
0x39: {  	[spmem:s2] =	stream.indirect.scatter.add.f32 [tilespmem:s13], [sflag:$0x7], $0x40, s7, s12, $0xb8;
	v63 =	vld [tilespmem:$0x0]  }
0x3a: {  	s6 =	simm.s32 $0x5180  }
0x3b: {  	[spmem:s2] =	stream.indirect.scatter.add.f32 [tilespmem:s14], [sflag:$0x8], $0x40, s6, s12, $0xb8;
	v63 =	vld [tilespmem:$0x0]  }
0x3c: {  	s7 =	simm.s32 $0x5200  }
0x3d: {  	[spmem:s2] =	stream.indirect.scatter.add.f32 [tilespmem:s16], [sflag:$0x9], $0x40, s7, s12, $0xb8;
	v63 =	vld [tilespmem:$0x0]  }
0x3e: {  	_ =	swait.ge [sflag:s29], $0x2000  }
0x3f: {  	[sflag:s29] =	ssyncset.done $0x0  }
0x40: {  	s6 =	simm.s32 $0x300;
	[sflag:s29] =	ssyncadd.s32 $0xFFFFE000  }
0x41: {  	[tilespmem:s13], [sflag:$0x1] =	stream.indirect.gather [hbm4b:s4+s12], $0x40, s6, s12, $0xb8;
	v63 =	vld [tilespmem:$0x0]  }
0x42: {  	_ =	swait.ge [sflag:s30], $0x2000  }
0x43: {  	[sflag:s30] =	ssyncset.done $0x0  }
0x44: {  	s7 =	simm.s32 $0x380;
	[sflag:s30] =	ssyncadd.s32 $0xFFFFE000  }
0x45: {  	[tilespmem:s14], [sflag:$0x2] =	stream.indirect.gather [hbm4b:s4+s12], $0x40, s7, s12, $0xb8;
	v63 =	vld [tilespmem:$0x0]  }
0x46: {  	_ =	swait.ge [sflag:s31], $0x2000  }
0x47: {  	[sflag:s31] =	ssyncset.done $0x0  }
0x48: {  	s6 =	simm.s32 $0x400;
	[sflag:s31] =	ssyncadd.s32 $0xFFFFE000  }
0x49: {  	[tilespmem:s16], [sflag:$0x3] =	stream.indirect.gather [hbm4b:s4+s12], $0x40, s6, s12, $0xb8;
	v63 =	vld [tilespmem:$0x0]  }
0x4a: {  	_ =	swait.ge [sflag:s1], $0x2000  }
0x4b: {  	[sflag:s1] =	ssyncset.done $0x0  }
0x4c: {  	[sflag:s1] =	ssyncadd.s32 $0xFFFFE000  }
0x4d: {  	_ =	swait.ge [sflag:s0], $0x2000  }
0x4e: {  	[sflag:s0] =	ssyncset.done $0x0  }
0x4f: {  	[sflag:s0] =	ssyncadd.s32 $0xFFFFE000  }
0x50: {  	_ =	swait.ge [sflag:s11], $0x2000  }
0x51: {  	[sflag:s11] =	ssyncset.done $0x0  }
0x52: {  	s7 =	simm.s32 $0x5280;
	[sflag:s11] =	ssyncadd.s32 $0xFFFFE000  }
0x53: {  	[spmem:s2] =	stream.indirect.scatter.add.f32 [tilespmem:s18], [sflag:$0xA], $0x40, s7, s12, $0xb8;
	v63 =	vld [tilespmem:$0x0]  }
0x54: {  	s6 =	simm.s32 $0x5300  }
0x55: {  	[spmem:s2] =	stream.indirect.scatter.add.f32 [tilespmem:s20], [sflag:$0xB], $0x40, s6, s12, $0xb8;
	v63 =	vld [tilespmem:$0x0]  }
0x56: {  	s7 =	simm.s32 $0x5380  }
0x57: {  	[spmem:s2] =	stream.indirect.scatter.add.f32 [tilespmem:s22], [sflag:$0xC], $0x40, s7, s12, $0xb8;
	v63 =	vld [tilespmem:$0x0]  }
0x58: {  	_ =	swait.ge [sflag:s15], $0x2000  }
0x59: {  	[sflag:s15] =	ssyncset.done $0x0  }
0x5a: {  	s6 =	simm.s32 $0x480;
	[sflag:s15] =	ssyncadd.s32 $0xFFFFE000  }
0x5b: {  	[tilespmem:s18], [sflag:$0x4] =	stream.indirect.gather [hbm4b:s4+s12], $0x40, s6, s12, $0xb8;
	v63 =	vld [tilespmem:$0x0]  }
0x5c: {  	_ =	swait.ge [sflag:s17], $0x2000  }
0x5d: {  	[sflag:s17] =	ssyncset.done $0x0  }
0x5e: {  	s7 =	simm.s32 $0x500;
	[sflag:s17] =	ssyncadd.s32 $0xFFFFE000  }
0x5f: {  	[tilespmem:s20], [sflag:$0x5] =	stream.indirect.gather [hbm4b:s4+s12], $0x40, s7, s12, $0xb8;
	v63 =	vld [tilespmem:$0x0]  }
0x60: {  	_ =	swait.ge [sflag:s19], $0x2000  }
0x61: {  	[sflag:s19] =	ssyncset.done $0x0  }
0x62: {  	s5 =	simm.s32 $0xC00;
	s6 =	simm.s32 $0x580;
	[sflag:s19] =	ssyncadd.s32 $0xFFFFE000  }
.LBB2_2:
0x63: {  	[tilespmem:s22], [sflag:$0x6] =	stream.indirect.gather [hbm4b:s4+s12], $0x40, s6, s12, $0xb8;
	v63 =	vld [tilespmem:$0x0]  }
0x64: {  	s6 =	smov.u32 s5  }
0x65: {  	p0 =	sne.s32 s5, $0x12C00;
	s5 =	sadd.s32 $0xC00, s5;
	_ =	swait.ge [sflag:s25], $0x2000  }
0x66: {  	[sflag:s25] =	ssyncset.done $0x0  }
0x67: {  	[sflag:s25] =	ssyncadd.s32 $0xFFFFE000  }
0x68: {  	_ =	swait.ge [sflag:s26], $0x2000  }
0x69: {  	[sflag:s26] =	ssyncset.done $0x0  }
0x6a: {  	[sflag:s26] =	ssyncadd.s32 $0xFFFFE000  }
0x6b: {  	_ =	swait.ge [sflag:s28], $0x2000  }
0x6c: {  	s6 =	sshra.s32 s6, $0x2;
	[sflag:s28] =	ssyncset.done $0x0  }
0x6d: {  	s7 =	sadd.s32 $0x5100, s6;
	[sflag:s28] =	ssyncadd.s32 $0xFFFFE000  }
0x6e: {  	[spmem:s2] =	stream.indirect.scatter.add.f32 [tilespmem:s13], [sflag:$0x7], $0x40, s7, s12, $0xb8;
	v63 =	vld [tilespmem:$0x0]  }
0x6f: {  	s7 =	sadd.s32 $0x5180, s6  }
0x70: {  	[spmem:s2] =	stream.indirect.scatter.add.f32 [tilespmem:s14], [sflag:$0x8], $0x40, s7, s12, $0xb8;
	v63 =	vld [tilespmem:$0x0]  }
0x71: {  	s7 =	sadd.s32 $0x5200, s6  }
0x72: {  	[spmem:s2] =	stream.indirect.scatter.add.f32 [tilespmem:s16], [sflag:$0x9], $0x40, s7, s12, $0xb8;
	v63 =	vld [tilespmem:$0x0]  }
0x73: {  	_ =	swait.ge [sflag:s29], $0x2000  }
0x74: {  	[sflag:s29] =	ssyncset.done $0x0  }
0x75: {  	s7 =	sadd.s32 $0x300, s6;
	[sflag:s29] =	ssyncadd.s32 $0xFFFFE000  }
0x76: {  	[tilespmem:s13], [sflag:$0x1] =	stream.indirect.gather [hbm4b:s4+s12], $0x40, s7, s12, $0xb8;
	v63 =	vld [tilespmem:$0x0]  }
0x77: {  	_ =	swait.ge [sflag:s30], $0x2000  }
0x78: {  	[sflag:s30] =	ssyncset.done $0x0  }
0x79: {  	s7 =	sadd.s32 $0x380, s6;
	[sflag:s30] =	ssyncadd.s32 $0xFFFFE000  }
0x7a: {  	[tilespmem:s14], [sflag:$0x2] =	stream.indirect.gather [hbm4b:s4+s12], $0x40, s7, s12, $0xb8;
	v63 =	vld [tilespmem:$0x0]  }
0x7b: {  	_ =	swait.ge [sflag:s31], $0x2000  }
0x7c: {  	[sflag:s31] =	ssyncset.done $0x0  }
0x7d: {  	s7 =	sadd.s32 $0x400, s6;
	[sflag:s31] =	ssyncadd.s32 $0xFFFFE000  }
0x7e: {  	[tilespmem:s16], [sflag:$0x3] =	stream.indirect.gather [hbm4b:s4+s12], $0x40, s7, s12, $0xb8;
	v63 =	vld [tilespmem:$0x0]  }
0x7f: {  	_ =	swait.ge [sflag:s1], $0x2000  }
0x80: {  	[sflag:s1] =	ssyncset.done $0x0  }
0x81: {  	[sflag:s1] =	ssyncadd.s32 $0xFFFFE000  }
0x82: {  	_ =	swait.ge [sflag:s0], $0x2000  }
0x83: {  	[sflag:s0] =	ssyncset.done $0x0  }
0x84: {  	[sflag:s0] =	ssyncadd.s32 $0xFFFFE000  }
0x85: {  	_ =	swait.ge [sflag:s11], $0x2000  }
0x86: {  	[sflag:s11] =	ssyncset.done $0x0  }
0x87: {  	s7 =	sadd.s32 $0x5280, s6;
	[sflag:s11] =	ssyncadd.s32 $0xFFFFE000  }
0x88: {  	[spmem:s2] =	stream.indirect.scatter.add.f32 [tilespmem:s18], [sflag:$0xA], $0x40, s7, s12, $0xb8;
	v63 =	vld [tilespmem:$0x0]  }
0x89: {  	s7 =	sadd.s32 $0x5300, s6  }
0x8a: {  	[spmem:s2] =	stream.indirect.scatter.add.f32 [tilespmem:s20], [sflag:$0xB], $0x40, s7, s12, $0xb8;
	v63 =	vld [tilespmem:$0x0]  }
0x8b: {  	s7 =	sadd.s32 $0x5380, s6  }
0x8c: {  	[spmem:s2] =	stream.indirect.scatter.add.f32 [tilespmem:s22], [sflag:$0xC], $0x40, s7, s12, $0xb8;
	v63 =	vld [tilespmem:$0x0]  }
0x8d: {  	_ =	swait.ge [sflag:s15], $0x2000  }
0x8e: {  	[sflag:s15] =	ssyncset.done $0x0  }
0x8f: {  	s7 =	sadd.s32 $0x480, s6;
	[sflag:s15] =	ssyncadd.s32 $0xFFFFE000  }
0x90: {  	[tilespmem:s18], [sflag:$0x4] =	stream.indirect.gather [hbm4b:s4+s12], $0x40, s7, s12, $0xb8;
	v63 =	vld [tilespmem:$0x0]  }
0x91: {  	_ =	swait.ge [sflag:s17], $0x2000  }
0x92: {  	[sflag:s17] =	ssyncset.done $0x0  }
.Ltmp0:
0x93: {  	s7 =	sadd.s32 $0x500, s6;
	[sflag:s17] =	ssyncadd.s32 $0xFFFFE000;
	(pc) =	sbr.rel @p0 .LBB2_2-.Ltmp0, $4  }
0x94: {  	[tilespmem:s20], [sflag:$0x5] =	stream.indirect.gather [hbm4b:s4+s12], $0x40, s7, s12, $0xb8;
	v63 =	vld [tilespmem:$0x0]  }
0x95: {  	_ =	swait.ge [sflag:s19], $0x2000  }
0x96: {  	[sflag:s19] =	ssyncset.done $0x0  }
0x97: {  	s6 =	sadd.s32 $0x580, s6;
	[sflag:s19] =	ssyncadd.s32 $0xFFFFE000  }
0x98: {  	[tilespmem:s22], [sflag:$0x6] =	stream.indirect.gather [hbm4b:s4+s12], $0x40, s6, s12, $0xb8;
	v63 =	vld [tilespmem:$0x0]  }
0x99: {  	_ =	swait.ge [sflag:s25], $0x2000  }
0x9a: {  	[sflag:s25] =	ssyncset.done $0x0  }
0x9b: {  	[sflag:s25] =	ssyncadd.s32 $0xFFFFE000  }
0x9c: {  	_ =	swait.ge [sflag:s26], $0x2000  }
0x9d: {  	[sflag:s26] =	ssyncset.done $0x0  }
0x9e: {  	[sflag:s26] =	ssyncadd.s32 $0xFFFFE000  }
0x9f: {  	_ =	swait.ge [sflag:s28], $0x2000  }
0xa0: {  	[sflag:s28] =	ssyncset.done $0x0  }
0xa1: {  	s5 =	simm.s32 $0x9F00;
	[sflag:s28] =	ssyncadd.s32 $0xFFFFE000  }
0xa2: {  	[spmem:s2] =	stream.indirect.scatter.add.f32 [tilespmem:s13], [sflag:$0x7], $0x40, s5, s12, $0xb8;
	v63 =	vld [tilespmem:$0x0]  }
0xa3: {  	s7 =	simm.s32 $0x9F80  }
0xa4: {  	[spmem:s2] =	stream.indirect.scatter.add.f32 [tilespmem:s14], [sflag:$0x8], $0x40, s7, s12, $0xb8;
	v63 =	vld [tilespmem:$0x0]  }
0xa5: {  	s6 =	simm.s32 $0xA000  }
0xa6: {  	[spmem:s2] =	stream.indirect.scatter.add.f32 [tilespmem:s16], [sflag:$0x9], $0x40, s6, s12, $0xb8;
	v63 =	vld [tilespmem:$0x0]  }
0xa7: {  	_ =	swait.ge [sflag:s29], $0x2000  }
0xa8: {  	[sflag:s29] =	ssyncset.done $0x0  }
0xa9: {  	[sflag:s29] =	ssyncadd.s32 $0xFFFFE000  }
0xaa: {  	_ =	swait.ge [sflag:s30], $0x2000  }
0xab: {  	[sflag:s30] =	ssyncset.done $0x0  }
0xac: {  	[sflag:s30] =	ssyncadd.s32 $0xFFFFE000  }
0xad: {  	_ =	swait.ge [sflag:s31], $0x2000  }
0xae: {  	[sflag:s31] =	ssyncset.done $0x0  }
0xaf: {  	[sflag:s31] =	ssyncadd.s32 $0xFFFFE000  }
0xb0: {  	_ =	swait.ge [sflag:s1], $0x2000  }
0xb1: {  	[sflag:s1] =	ssyncset.done $0x0  }
0xb2: {  	[sflag:s1] =	ssyncadd.s32 $0xFFFFE000  }
0xb3: {  	_ =	swait.ge [sflag:s0], $0x2000  }
0xb4: {  	[sflag:s0] =	ssyncset.done $0x0  }
0xb5: {  	[sflag:s0] =	ssyncadd.s32 $0xFFFFE000  }
0xb6: {  	_ =	swait.ge [sflag:s11], $0x2000  }
0xb7: {  	[sflag:s11] =	ssyncset.done $0x0  }
0xb8: {  	s7 =	simm.s32 $0xA080;
	[sflag:s11] =	ssyncadd.s32 $0xFFFFE000  }
0xb9: {  	[spmem:s2] =	stream.indirect.scatter.add.f32 [tilespmem:s18], [sflag:$0xA], $0x40, s7, s12, $0xb8;
	v63 =	vld [tilespmem:$0x0]  }
0xba: {  	s6 =	simm.s32 $0xA100  }
0xbb: {  	[spmem:s2] =	stream.indirect.scatter.add.f32 [tilespmem:s20], [sflag:$0xB], $0x40, s6, s12, $0xb8;
	v63 =	vld [tilespmem:$0x0]  }
0xbc: {  	s7 =	simm.s32 $0xA180  }
0xbd: {  	[spmem:s2] =	stream.indirect.scatter.add.f32 [tilespmem:s22], [sflag:$0xC], $0x40, s7, s12, $0xb8;
	v63 =	vld [tilespmem:$0x0]  }
0xbe: {  	_ =	swait.ge [sflag:s15], $0x2000  }
0xbf: {  	[sflag:s15] =	ssyncset.done $0x0  }
0xc0: {  	[sflag:s15] =	ssyncadd.s32 $0xFFFFE000  }
0xc1: {  	_ =	swait.ge [sflag:s17], $0x2000  }
0xc2: {  	[sflag:s17] =	ssyncset.done $0x0  }
0xc3: {  	[sflag:s17] =	ssyncadd.s32 $0xFFFFE000  }
0xc4: {  	_ =	swait.ge [sflag:s19], $0x2000  }
0xc5: {  	s21 =	sadd.s32 $0x1, s21;
	[sflag:s19] =	ssyncset.done $0x0  }
0xc6: {  	p0 =	sne.s32 s21, s9;
	[sflag:s19] =	ssyncadd.s32 $0xFFFFE000  }
.Ltmp1:
0xc7: {  	[bflag:$0x0] =	sbarrier.arrive $0xFFFF;
	(pc) =	sbr.rel @p0 .LBB2_1-.Ltmp1, $4  }
0xc8: {  	[hbm:s8], [sflag:s23] =	dma.local [spmem:s24], $0x13B8  }
0xc9: {  	_ =	swait.ge [sflag:s10], $0x13B8  }
0xca: {  	[sflag:s10] =	ssyncset.done $0x0  }
0xcb: {  	[sflag:s10] =	ssyncadd.s32 $0xFFFFEC48  }
0xcc: {  	_ =	sfence.sel $0x180000  }
0xcd: {  	[bflag:$0x0] =	sbarrier.arrive $0xFFFF  }
0xce: {  	_ =	strace $0x90000047  }
0xcf: {  	s0 =	stileid.u32;
	[bflag:$0x2] =	sbarrier.arrive $0xFFFF  }
0xd0: {  	p0 =	sne.s32 s0, $0x0;
	s0 =	rddreg [dreg:$0x2]  }
0xd1: {  	s0 =	sadd.s32 @!p0 $0x100000, s0  }
0xd2: {  	[sflag:s0] =	ssyncadd.tile.s32 @!p0 $0x1;
	_ =	shalt  }
.Lfunc_end2:
_tile_overlayer_lowered:
.L_overlay_start_2:
0xd3: {  	(tag) =	ssettag $0x2  }
0xd4: {  	s0 =	rddreg [dreg:$0x0];
	s2 =	stileid.u32  }
0xd5: {  	s1 =	rddreg [dreg:$0x1];
	p0 =	sne.s32 s2, $0x0  }
0xd6: {  	s3 =	rddreg [dreg:$0x2];
	[bflag:$0x3] =	sbarrier.arrive $0xFFFF;
	s2 =	simm.s32 @!p0 $0x1C0D  }
0xd7: {  	[timem:s3], [sflag:s2] =	dma.local @!p0 [hbm:s0], s1  }
0xd8: {  	s0 =	simm.s32 @!p0 $0xD  }
0xd9: {  	_ =	swait.ge @!p0 [sflag:s0], s1  }
0xda: {  	s1 =	ssub.s32 @!p0 $0x0, s1;
	[sflag:s0] =	ssyncset.done @!p0 $0x0  }
0xdb: {  	[sflag:s0] =	ssyncadd.s32 @!p0 s1  }
0xdc: {  	[bflag:$0x3] =	sbarrier.arrive $0xFFFF  }
0xdd: {  	_ =	shalt  }

// kernel: kernel.9.cloned.1.call-start
scs
__scs_entry_jumppad:
0x0: {  	(pc) =	sbr.rel $0x88, $3  }
0x1: {  	(tag) =	ssettag $0x0;
	lr =	simm.s32 $0x1  }
0x2: {  	[smem:$0x3F91] =	sst lr;
	_ =	strace $0xD0000000  }
0x3: {  	_ = 	snop  }
0x4: {  	_ = 	snop  }
0x5: {  	_ = 	snop  }
0x6: {  	_ = 	snop  }
0x7: {  	_ = 	snop  }
__scs_overlays_trampoline_lowered:
0x8: {  	[smem:$0x3FA0] =	sst s0  }
0x9: {  	[smem:$0x3FA1] =	sst s1  }
0xa: {  	[smem:$0x3FA2] =	sst s2  }
0xb: {  	[smem:$0x3FA3] =	sst s3  }
0xc: {  	[smem:$0x3FA4] =	sst s4  }
0xd: {  	[smem:$0x3FA5] =	sst s5  }
0xe: {  	[smem:$0x3FA6] =	sst s6  }
0xf: {  	[smem:$0x3FA7] =	sst s7  }
0x10: {  	[smem:$0x3FA8] =	sst s8  }
0x11: {  	[smem:$0x3FA9] =	sst s9;
	s0 =	simm.s32 @!p0 $0x0  }
0x12: {  	s1 =	sld [smem:$0x3F8F];
	s0 =	simm.s32 @p0 $0x1  }
0x13: {  	[smem:$0x3FAA] =	sst s0;
	s0 =	simm.s32 @!p1 $0x0  }
0x14: {  	s2 =	sld [smem:$0x3F8E];
	s0 =	simm.s32 @p1 $0x1  }
0x15: {  	[smem:$0x3FAB] =	sst s0;
	s0 =	simm.s32 @!p2 $0x0  }
0x16: {  	s3 =	sld [smem:$0x3FDB];
	s0 =	simm.s32 @p2 $0x1  }
0x17: {  	s4 =	simm.s32 $0x1BF5;
	[smem:$0x3FAD] =	sst s0  }
0x18: {  	s0 =	sld [smem:$0x3F90];
	_ =	swait.ge [sflag:s4], $0x0  }
0x19: {  	s7 =	sld [smem:$0x3F91]  }
0x1a: {  	s8 =	sadd.s32 $0xFFFFE003, lr  }
0x1b: {  	s9 =	sadd.s32 $0xFFFFFEF7, lr;
	s5 =	simm.s32 $0xFFFFFFFF;
	p2 =	slt.u32 s8, $0xFFFFF086  }
0x1c: {  	p1 =	slt.u32 s9, $0xF7A;
	s5 =	simm.s32 @!p2 $0x0  }
0x1d: {  	s5 =	simm.s32 @p1 $0x1;
	p0 =	seq.s32 s7, s2  }
0x1e: {  	s7 =	smul.u32 @!p0 $0xF7A, s2;
	p2 =	seq.s32 @!p0 s5, $0x0  }
0x1f: {  	s9 =	smul.u32 $0xF7A, s1;
	s8 =	simm.s32 @!p0 $0x1BF5;
	p2 =	por !p2, p0  }
0x20: {  	[sflag:s8] =	ssyncset.s32 @!p0 $0xFFFFF086;
	s6 =	sadd.s32 @!p0 s3, s7;
	s7 =	simm.s32 @!p0 $0x108  }
0x21: {  	s3 =	sadd.s32 s3, s9;
	s6 =	sadd.s32 @!p0 $0x88, s6;
	s7 =	simm.s32 @p2 $0x1082  }
0x22: {  	[simem:s7], [sflag:s8] =	dma.local @!p0 [hbm:s6], $0xF7A  }
0x23: {  	s9 =	sor.u32 $0xD0000000, s2;
	s6 =	simm.s32 $0x108;
	_ =	swait.ge @!p0 [sflag:s8], $0x0  }
0x24: {  	s3 =	sadd.s32 $0x88, s3;
	s6 =	simm.s32 @!p1 $0x1082;
	[sflag:s4] =	ssyncset.s32 $0xFFFFF086  }
0x25: {  	[simem:s6], [sflag:s4] =	dma.local [hbm:s3], $0xF7A  }
0x26: {  	[smem:$0x3F91] =	sst s1;
	(tag) =	ssettag s2;
	_ =	strace s9  }
0x27: {  	s1 =	sld [smem:$0x3FA1]  }
0x28: {  	s2 =	sld [smem:$0x3FA2]  }
0x29: {  	s4 =	sld [smem:$0x3FA4]  }
0x2a: {  	p0 =	seq.s32 s5, $0x0;
	s5 =	sld [smem:$0x3FA5]  }
0x2b: {  	s6 =	sld [smem:$0x3FA6]  }
0x2c: {  	s7 =	sld [smem:$0x3FA7]  }
0x2d: {  	s3 =	simm.s32 $0x108;
	s8 =	sld [smem:$0x3FA8]  }
0x2e: {  	s3 =	simm.s32 @!p0 $0x1082;
	s9 =	sld [smem:$0x3FA9]  }
0x2f: {  	lr =	sadd.s32 s0, s3;
	s0 =	sld [smem:$0x3FA0]  }
0x30: {  	s3 =	sld [smem:$0x3FA3]  }
0x31: {  	[smem:$0x3FAC] =	sst s10  }
0x32: {  	s10 =	sld [smem:$0x3FAA];
	_ =	sdelay $0x3  }
0x33: {  	p0 =	seq.s32 s10, $0x1;
	s10 =	sld [smem:$0x3FAC];
	_ =	sdelay $0x3  }
0x34: {  	[smem:$0x3FAC] =	sst s10  }
0x35: {  	s10 =	sld [smem:$0x3FAB];
	_ =	sdelay $0x3  }
0x36: {  	p1 =	seq.s32 s10, $0x1;
	s10 =	sld [smem:$0x3FAC];
	_ =	sdelay $0x3  }
0x37: {  	[smem:$0x3FAC] =	sst s10  }
0x38: {  	s10 =	sld [smem:$0x3FAD]  }
0x39: {  	_ = 	snop;
	(pc) =	sbr.ind lr, $3  }
0x3a: {  	_ = 	snop  }
0x3b: {  	_ = 	snop  }
0x3c: {  	p2 =	seq.s32 s10, $0x1;
	s10 =	sld [smem:$0x3FAC]  }
0x3d: {  	_ =	shalt  }
0x3e: {  	_ =	shalt  }
0x3f: {  	_ =	shalt  }
0x40: {  	_ =	shalt  }
0x41: {  	_ =	shalt  }
0x42: {  	_ =	shalt  }
0x43: {  	_ =	shalt  }
0x44: {  	_ =	shalt  }
0x45: {  	_ =	shalt  }
0x46: {  	_ =	shalt  }
0x47: {  	_ =	shalt  }
0x48: {  	_ =	shalt  }
0x49: {  	_ =	shalt  }
0x4a: {  	_ =	shalt  }
0x4b: {  	_ =	shalt  }
0x4c: {  	_ =	shalt  }
0x4d: {  	_ =	shalt  }
0x4e: {  	_ =	shalt  }
0x4f: {  	_ =	shalt  }
0x50: {  	_ =	shalt  }
0x51: {  	_ =	shalt  }
0x52: {  	_ =	shalt  }
0x53: {  	_ =	shalt  }
0x54: {  	_ =	shalt  }
0x55: {  	_ =	shalt  }
0x56: {  	_ =	shalt  }
0x57: {  	_ =	shalt  }
0x58: {  	_ =	shalt  }
0x59: {  	_ =	shalt  }
0x5a: {  	_ =	shalt  }
0x5b: {  	_ =	shalt  }
0x5c: {  	_ =	shalt  }
0x5d: {  	_ =	shalt  }
0x5e: {  	_ =	shalt  }
0x5f: {  	_ =	shalt  }
0x60: {  	_ =	shalt  }
0x61: {  	_ =	shalt  }
0x62: {  	_ =	shalt  }
0x63: {  	_ =	shalt  }
0x64: {  	_ =	shalt  }
0x65: {  	_ =	shalt  }
0x66: {  	_ =	shalt  }
0x67: {  	_ =	shalt  }
0x68: {  	_ =	shalt  }
0x69: {  	_ =	shalt  }
0x6a: {  	_ =	shalt  }
0x6b: {  	_ =	shalt  }
0x6c: {  	_ =	shalt  }
0x6d: {  	_ =	shalt  }
0x6e: {  	_ =	shalt  }
0x6f: {  	_ =	shalt  }
0x70: {  	_ =	shalt  }
0x71: {  	_ =	shalt  }
0x72: {  	_ =	shalt  }
0x73: {  	_ =	shalt  }
0x74: {  	_ =	shalt  }
0x75: {  	_ =	shalt  }
0x76: {  	_ =	shalt  }
0x77: {  	_ =	shalt  }
0x78: {  	_ =	shalt  }
0x79: {  	_ =	shalt  }
0x7a: {  	_ =	shalt  }
0x7b: {  	_ =	shalt  }
0x7c: {  	_ =	shalt  }
0x7d: {  	_ =	shalt  }
0x7e: {  	_ =	shalt  }
0x7f: {  	_ =	shalt  }
0x80: {  	_ =	shalt  }
0x81: {  	_ =	shalt  }
0x82: {  	_ =	shalt  }
0x83: {  	_ =	shalt  }
0x84: {  	_ =	shalt  }
0x85: {  	_ =	shalt  }
0x86: {  	_ =	shalt  }
0x87: {  	_ =	shalt  }
.Lfunc_end0:
.L_simem_size_0:
called_computation.1_lowered:
.L_overlay_start_0:
0x88: {  	s2 =	sld [smem:$0x3FD9]  }
0x89: {  	s3 =	sld [smem:$0x3FFE];
	_ =	sdelay $0x1  }
0x8a: {  	s1 =	srdreg.scid  }
0x8b: {  	s0 =	sand.u32 $0x1, s1  }
0x8c: {  	s16 =	sshll.u32 s0, $0xA;
	s2 =	sadd.s32 s3, s2  }
0x8d: {  	s2 =	sadd.s32 s2, s16  }
0x8e: {  	[smem:$0x3FB8] =	sst s2  }
0x8f: {  	_ = 	snop  }
0x90: {  	(tm) =	ssettm $0x1  }
0x91: {  	s17 =	sld [smem:$0x3FFB];
	_ =	sdelay $0x3  }
0x92: {  	_ =	strace s17  }
0x93: {  	s2 =	sld [smem:$0x3FFC];
	_ =	sdelay $0x3  }
0x94: {  	_ =	strace s2  }
0x95: {  	s2 =	sld [smem:$0x3FFD];
	_ =	sdelay $0x3  }
0x96: {  	_ =	strace s2  }
0x97: {  	_ =	strace $0x8FFFFFFF  }
0x98: {  	s18 =	sld [smem:$0x3FDB];
	_ =	sdelay $0x1  }
0x99: {  	s19 =	simm.s32 $_scs_section_size  }
0x9a: {  	s4 =	simm.s32 $_size__tile_overlayer_lowered;
	s5 =	simm.s32 $_tile_overlayer_lowered  }
0x9b: {  	s22 =	simm.s32 $0x1BFF;
	s21 =	sshll.u32 s5, $0x1;
	s2 =	sadd.s32 s19, s18  }
0x9c: {  	s6 =	simm.s32 $0x0;
	s20 =	sshll.u32 s4, $0x1;
	s4 =	sadd.s32 s21, s2  }
0x9d: {  	[timem:s6], [sflag:s22] =	dma.local [hbm:s4], s20  }
0x9e: {  	_ =	swait.ge [sflag:s22], s20  }
0x9f: {  	s3 =	ssub.s32 $0x0, s20;
	[sflag:s22] =	ssyncset.done $0x0  }
0xa0: {  	[sflag:s22] =	ssyncadd.s32 s3;
	_ =	sdelay $0x1  }
0xa1: {  	s23 =	simm.s32 $0x1B8B  }
0xa2: {  	_ =	swait.ge [sflag:s23], $0x1  }
0xa3: {  	[sflag:s23] =	ssyncset.done $0x0  }
0xa4: {  	s25 =	simm.s32 $0x1B8E;
	s24 =	sld [smem:$0x3FFE];
	[sflag:s23] =	ssyncadd.s32 $0xFFFFFFFF  }
0xa5: {  	s26 =	simm.s32 $execute0_lowered;
	[smem:$0x3FD2] =	sst s25  }
0xa6: {  	s4 =	sshll.u32 s26, $0x1;
	_ =	strace $0x80000049;
	[dreg:$0x1] =	wrdreg $0xFFFFFFFF  }
0xa7: {  	s28 =	simm.s32 $_size_execute0_lowered;
	s2 =	sadd.s32 s2, s4;
	[dreg:$0x0] =	wrdreg $0x0  }
0xa8: {  	s4 =	sshll.u32 s28, $0x1;
	[dreg:$0x2] =	wrdreg s2  }
0xa9: {  	[dreg:$0x3] =	wrdreg s4  }
0xaa: {  	[dreg:$0x4] =	wrdreg $0xC0  }
0xab: {  	_ =	task [dreg:s6], $0x5FFFF  }
0xac: {  	[dreg:$0x1] =	wrdreg $0xFFFFFFFF  }
0xad: {  	[dreg:$0x0] =	wrdreg $0x60  }
0xae: {  	[dreg:$0x2] =	wrdreg s24  }
0xaf: {  	[dreg:$0x3] =	wrdreg $0x162000  }
0xb0: {  	[dreg:$0x4] =	wrdreg $0x9  }
0xb1: {  	_ =	task.clear_ibuf [dreg:s6], $0x5FFFF;
	_ =	strace $0x90000049  }
0xb2: {  	s29 =	simm.s32 $0x9;
	_ =	strace $0x8000004B  }
0xb3: {  	_ =	swait.ge [sflag:s29], $0x1  }
0xb4: {  	[sflag:s29] =	ssyncadd.s32 $0xFFFFFFFF  }
0xb5: {  	_ =	strace $0x9000004B  }
0xb6: {  	_ =	sfence  }
0xb7: {  	s30 =	sld [smem:$0x0];
	_ =	sdelay $0x2  }
0xb8: {  	s31 =	sshll.u32 s1, $0xD;
	s1 =	sshrl.u32 s1, $0x2  }
0xb9: {  	s3 =	sand.u32 $0x4000, s31;
	s1 =	sadd.s32 s1, s30  }
0xba: {  	s0 =	sor.u32 s3, s0;
	s1 =	sshll.u32 s1, $0x11  }
0xbb: {  	s0 =	sor.u32 s1, s0  }
0xbc: {  	s0 =	sadd.s32 $0x8F2B, s0  }
0xbd: {  	[sflag:s0] =	ssyncadd.remote.s32 $0x1  }
0xbe: {  	_ =	sfence.sel $0xFFFF  }
0xbf: {  	[dreg:$0x0] =	wrdreg $0xFFFFFFFF;
	(pc) =	sbr.abs _section_cstart, $3  }
0xc0: {  	[dreg:$0x1] =	wrdreg $0xFFFFFFFF  }
0xc1: {  	_ =	task.clear_ibuf [dreg:s6], $0x2FFFF;
	_ =	strace $0x9FFFFFFF  }
0xc2: {  	(tm) =	ssettm $0x7FFFFFFF  }
0xc3: {  	_ =	shalt  }
tec
execute0_lowered:
.L_overlay_start_1:
0x0: {  	(tag) =	ssettag $0x1  }
0x1: {  	s0 =	rddreg [dreg:$0x0];
	s1 =	srdreg.scid  }
0x2: {  	s11 =	stileid.u32;
	s2 =	rddreg [dreg:$0x1];
	s3 =	simm.s32 $0x0  }
0x3: {  	s10 =	simm.s32 $0xD;
	s12 =	simm.s32 $0x80;
	s13 =	simm.s32 $0xA200  }
0x4: {  	s14 =	simm.s32 $0xC200;
	s16 =	simm.s32 $0xE200;
	s18 =	simm.s32 $0x10200  }
0x5: {  	s20 =	simm.s32 $0x12200;
	s22 =	simm.s32 $0x14200;
	s28 =	simm.s32 $0x3  }
0x6: {  	s29 =	simm.s32 $0x7;
	s30 =	simm.s32 $0x8;
	s31 =	simm.s32 $0x9  }
0x7: {  	s15 =	simm.s32 $0xA;
	s17 =	simm.s32 $0xB;
	s19 =	simm.s32 $0xC  }
0x8: {  	s21 =	simm.s32 $0x0;
	s1 =	sand.u32 $0x1, s1;
	s5 =	smul.u32 $0x5100, s11  }
0x9: {  	[smem:$0x7FF] =	sst s3;
	s6 =	smul.u32 $0x9DC0, s11;
	s26 =	sshll.u32 s11, $0x6  }
0xa: {  	s11 =	simm.s32 $0x6;
	s4 =	smul.u32 $0x51000, s1;
	_ =	strace $0x8000004A  }
0xb: {  	s8 =	smul.u32 $0x9DC00, s1;
	s1 =	ssub.s32 $0x2, s1;
	s9 =	sshrl.u32 s6, $0x3  }
0xc: {  	s23 =	sshrl.u32 s1, $0x1;
	s24 =	sadd.s32 s6, s2;
	s7 =	sadd.s32 s5, s4  }
0xd: {  	s4 =	sadd.s32 $0x16200, s0;
	s5 =	sshrl.u32 s5, $0x3;
	s8 =	sadd.s32 s6, s8  }
0xe: {  	s9 =	sadd.s32 s9, s0;
	s1 =	ssub.s32 s1, s23;
	s23 =	sor.u32 $0x1C0D, s26  }
0xf: {  	s24 =	sshrl.u32 s24, $0x3;
	s26 =	simm.s32 $0x2;
	s7 =	sshrl.u32 s7, $0x3  }
0x10: {  	s5 =	sadd.s32 s5, s0;
	s8 =	sshrl.u32 s8, $0x3;
	s25 =	sadd.s32 $0x47600, s9  }
0x11: {  	s9 =	smax.u32 s1, $0x1;
	s1 =	simm.s32 $0x4;
	s7 =	sadd.s32 s7, s0  }
0x12: {  	s0 =	sadd.s32 s8, s0;
	s5 =	sadd.s32 $0x3D400, s5;
	[dreg:$0x5] =	wrdreg s25  }
0x13: {  	s25 =	simm.s32 $0x1;
	s7 =	sadd.s32 $0x1E00, s7;
	[dreg:$0x4] =	wrdreg s5  }
0x14: {  	s8 =	sadd.s32 $0x5B200, s0;
	s0 =	simm.s32 $0x5;
	[dreg:$0x3] =	wrdreg s7  }
.LBB2_1:
0x15: {  	s5 =	rddreg [dreg:$0x3]  }
0x16: {  	[tilespmem:s3], [sflag:$0xD] =	stream.linear.gather [hbm4b:s5+s3], $0x5100, $0x38;
	v63 =	vld [tilespmem:$0x0]  }
0x17: {  	_ =	swait.ge [sflag:s10], $0x5100  }
0x18: {  	[sflag:s10] =	ssyncset.done $0x0  }
0x19: {  	s6 =	simm.s32 $0x5100;
	s7 =	rddreg [dreg:$0x4];
	[sflag:s10] =	ssyncadd.s32 $0xFFFFAF00  }
0x1a: {  	[tilespmem:s6], [sflag:$0xD] =	stream.linear.gather [hbm4b:s7+s3], $0x5100, $0x38;
	v63 =	vld [tilespmem:$0x0]  }
0x1b: {  	_ =	swait.ge [sflag:s10], $0x5100  }
0x1c: {  	[sflag:s10] =	ssyncset.done $0x0  }
0x1d: {  	[sflag:s10] =	ssyncadd.s32 $0xFFFFAF00  }
0x1e: {  	[tilespmem:s13], [sflag:$0x1] =	stream.indirect.gather [hbm4b:s4+s12], $0x40, s3, s12, $0xb8;
	v63 =	vld [tilespmem:$0x0]  }
0x1f: {  	_ = 	snop  }
0x20: {  	[tilespmem:s14], [sflag:$0x2] =	stream.indirect.gather [hbm4b:s4+s12], $0x40, s12, s12, $0xb8;
	v63 =	vld [tilespmem:$0x0]  }
0x21: {  	s6 =	simm.s32 $0x100  }
0x22: {  	[tilespmem:s16], [sflag:$0x3] =	stream.indirect.gather [hbm4b:s4+s12], $0x40, s6, s12, $0xb8;
	v63 =	vld [tilespmem:$0x0]  }
0x23: {  	s7 =	simm.s32 $0x180  }
0x24: {  	[tilespmem:s18], [sflag:$0x4] =	stream.indirect.gather [hbm4b:s4+s12], $0x40, s7, s12, $0xb8;
	v63 =	vld [tilespmem:$0x0]  }
0x25: {  	s6 =	simm.s32 $0x200  }
0x26: {  	[tilespmem:s20], [sflag:$0x5] =	stream.indirect.gather [hbm4b:s4+s12], $0x40, s6, s12, $0xb8;
	v63 =	vld [tilespmem:$0x0]  }
0x27: {  	s7 =	simm.s32 $0x280  }
0x28: {  	[tilespmem:s22], [sflag:$0x6] =	stream.indirect.gather [hbm4b:s4+s12], $0x40, s7, s12, $0xb8;
	v63 =	vld [tilespmem:$0x0]  }
0x29: {  	[bflag:$0x0] =	sbarrier.arrive $0xFFFF  }
0x2a: {  	s6 =	rddreg [dreg:$0x5]  }
0x2b: {  	[spmem:s24], [sflag:s23] =	dma.local [hbm:s6], $0x13B8  }
0x2c: {  	_ =	swait.ge [sflag:s10], $0x13B8  }
0x2d: {  	[sflag:s10] =	ssyncset.done $0x0  }
0x2e: {  	[sflag:s10] =	ssyncadd.s32 $0xFFFFEC48  }
0x2f: {  	[bflag:$0x0] =	sbarrier.arrive $0xFFFF  }
0x30: {  	_ =	swait.ge [sflag:s25], $0x2000  }
0x31: {  	[sflag:s25] =	ssyncset.done $0x0  }
0x32: {  	[sflag:s25] =	ssyncadd.s32 $0xFFFFE000  }
0x33: {  	_ =	swait.ge [sflag:s26], $0x2000  }
0x34: {  	[sflag:s26] =	ssyncset.done $0x0  }
0x35: {  	[sflag:s26] =	ssyncadd.s32 $0xFFFFE000  }
0x36: {  	_ =	swait.ge [sflag:s28], $0x2000  }
0x37: {  	[sflag:s28] =	ssyncset.done $0x0  }
0x38: {  	s7 =	simm.s32 $0x5100;
	[sflag:s28] =	ssyncadd.s32 $0xFFFFE000  }
0x39: {  	[spmem:s2] =	stream.indirect.scatter.add.f32 [tilespmem:s13], [sflag:$0x7], $0x40, s7, s12, $0xb8;
	v63 =	vld [tilespmem:$0x0]  }
0x3a: {  	s6 =	simm.s32 $0x5180  }
0x3b: {  	[spmem:s2] =	stream.indirect.scatter.add.f32 [tilespmem:s14], [sflag:$0x8], $0x40, s6, s12, $0xb8;
	v63 =	vld [tilespmem:$0x0]  }
0x3c: {  	s7 =	simm.s32 $0x5200  }
0x3d: {  	[spmem:s2] =	stream.indirect.scatter.add.f32 [tilespmem:s16], [sflag:$0x9], $0x40, s7, s12, $0xb8;
	v63 =	vld [tilespmem:$0x0]  }
0x3e: {  	_ =	swait.ge [sflag:s29], $0x2000  }
0x3f: {  	[sflag:s29] =	ssyncset.done $0x0  }
0x40: {  	s6 =	simm.s32 $0x300;
	[sflag:s29] =	ssyncadd.s32 $0xFFFFE000  }
0x41: {  	[tilespmem:s13], [sflag:$0x1] =	stream.indirect.gather [hbm4b:s4+s12], $0x40, s6, s12, $0xb8;
	v63 =	vld [tilespmem:$0x0]  }
0x42: {  	_ =	swait.ge [sflag:s30], $0x2000  }
0x43: {  	[sflag:s30] =	ssyncset.done $0x0  }
0x44: {  	s7 =	simm.s32 $0x380;
	[sflag:s30] =	ssyncadd.s32 $0xFFFFE000  }
0x45: {  	[tilespmem:s14], [sflag:$0x2] =	stream.indirect.gather [hbm4b:s4+s12], $0x40, s7, s12, $0xb8;
	v63 =	vld [tilespmem:$0x0]  }
0x46: {  	_ =	swait.ge [sflag:s31], $0x2000  }
0x47: {  	[sflag:s31] =	ssyncset.done $0x0  }
0x48: {  	s6 =	simm.s32 $0x400;
	[sflag:s31] =	ssyncadd.s32 $0xFFFFE000  }
0x49: {  	[tilespmem:s16], [sflag:$0x3] =	stream.indirect.gather [hbm4b:s4+s12], $0x40, s6, s12, $0xb8;
	v63 =	vld [tilespmem:$0x0]  }
0x4a: {  	_ =	swait.ge [sflag:s1], $0x2000  }
0x4b: {  	[sflag:s1] =	ssyncset.done $0x0  }
0x4c: {  	[sflag:s1] =	ssyncadd.s32 $0xFFFFE000  }
0x4d: {  	_ =	swait.ge [sflag:s0], $0x2000  }
0x4e: {  	[sflag:s0] =	ssyncset.done $0x0  }
0x4f: {  	[sflag:s0] =	ssyncadd.s32 $0xFFFFE000  }
0x50: {  	_ =	swait.ge [sflag:s11], $0x2000  }
0x51: {  	[sflag:s11] =	ssyncset.done $0x0  }
0x52: {  	s7 =	simm.s32 $0x5280;
	[sflag:s11] =	ssyncadd.s32 $0xFFFFE000  }
0x53: {  	[spmem:s2] =	stream.indirect.scatter.add.f32 [tilespmem:s18], [sflag:$0xA], $0x40, s7, s12, $0xb8;
	v63 =	vld [tilespmem:$0x0]  }
0x54: {  	s6 =	simm.s32 $0x5300  }
0x55: {  	[spmem:s2] =	stream.indirect.scatter.add.f32 [tilespmem:s20], [sflag:$0xB], $0x40, s6, s12, $0xb8;
	v63 =	vld [tilespmem:$0x0]  }
0x56: {  	s7 =	simm.s32 $0x5380  }
0x57: {  	[spmem:s2] =	stream.indirect.scatter.add.f32 [tilespmem:s22], [sflag:$0xC], $0x40, s7, s12, $0xb8;
	v63 =	vld [tilespmem:$0x0]  }
0x58: {  	_ =	swait.ge [sflag:s15], $0x2000  }
0x59: {  	[sflag:s15] =	ssyncset.done $0x0  }
0x5a: {  	s6 =	simm.s32 $0x480;
	[sflag:s15] =	ssyncadd.s32 $0xFFFFE000  }
0x5b: {  	[tilespmem:s18], [sflag:$0x4] =	stream.indirect.gather [hbm4b:s4+s12], $0x40, s6, s12, $0xb8;
	v63 =	vld [tilespmem:$0x0]  }
0x5c: {  	_ =	swait.ge [sflag:s17], $0x2000  }
0x5d: {  	[sflag:s17] =	ssyncset.done $0x0  }
0x5e: {  	s7 =	simm.s32 $0x500;
	[sflag:s17] =	ssyncadd.s32 $0xFFFFE000  }
0x5f: {  	[tilespmem:s20], [sflag:$0x5] =	stream.indirect.gather [hbm4b:s4+s12], $0x40, s7, s12, $0xb8;
	v63 =	vld [tilespmem:$0x0]  }
0x60: {  	_ =	swait.ge [sflag:s19], $0x2000  }
0x61: {  	[sflag:s19] =	ssyncset.done $0x0  }
0x62: {  	s5 =	simm.s32 $0xC00;
	s6 =	simm.s32 $0x580;
	[sflag:s19] =	ssyncadd.s32 $0xFFFFE000  }
.LBB2_2:
0x63: {  	[tilespmem:s22], [sflag:$0x6] =	stream.indirect.gather [hbm4b:s4+s12], $0x40, s6, s12, $0xb8;
	v63 =	vld [tilespmem:$0x0]  }
0x64: {  	s6 =	smov.u32 s5  }
0x65: {  	p0 =	sne.s32 s5, $0x12C00;
	s5 =	sadd.s32 $0xC00, s5;
	_ =	swait.ge [sflag:s25], $0x2000  }
0x66: {  	[sflag:s25] =	ssyncset.done $0x0  }
0x67: {  	[sflag:s25] =	ssyncadd.s32 $0xFFFFE000  }
0x68: {  	_ =	swait.ge [sflag:s26], $0x2000  }
0x69: {  	[sflag:s26] =	ssyncset.done $0x0  }
0x6a: {  	[sflag:s26] =	ssyncadd.s32 $0xFFFFE000  }
0x6b: {  	_ =	swait.ge [sflag:s28], $0x2000  }
0x6c: {  	s6 =	sshra.s32 s6, $0x2;
	[sflag:s28] =	ssyncset.done $0x0  }
0x6d: {  	s7 =	sadd.s32 $0x5100, s6;
	[sflag:s28] =	ssyncadd.s32 $0xFFFFE000  }
0x6e: {  	[spmem:s2] =	stream.indirect.scatter.add.f32 [tilespmem:s13], [sflag:$0x7], $0x40, s7, s12, $0xb8;
	v63 =	vld [tilespmem:$0x0]  }
0x6f: {  	s7 =	sadd.s32 $0x5180, s6  }
0x70: {  	[spmem:s2] =	stream.indirect.scatter.add.f32 [tilespmem:s14], [sflag:$0x8], $0x40, s7, s12, $0xb8;
	v63 =	vld [tilespmem:$0x0]  }
0x71: {  	s7 =	sadd.s32 $0x5200, s6  }
0x72: {  	[spmem:s2] =	stream.indirect.scatter.add.f32 [tilespmem:s16], [sflag:$0x9], $0x40, s7, s12, $0xb8;
	v63 =	vld [tilespmem:$0x0]  }
0x73: {  	_ =	swait.ge [sflag:s29], $0x2000  }
0x74: {  	[sflag:s29] =	ssyncset.done $0x0  }
0x75: {  	s7 =	sadd.s32 $0x300, s6;
	[sflag:s29] =	ssyncadd.s32 $0xFFFFE000  }
0x76: {  	[tilespmem:s13], [sflag:$0x1] =	stream.indirect.gather [hbm4b:s4+s12], $0x40, s7, s12, $0xb8;
	v63 =	vld [tilespmem:$0x0]  }
0x77: {  	_ =	swait.ge [sflag:s30], $0x2000  }
0x78: {  	[sflag:s30] =	ssyncset.done $0x0  }
0x79: {  	s7 =	sadd.s32 $0x380, s6;
	[sflag:s30] =	ssyncadd.s32 $0xFFFFE000  }
0x7a: {  	[tilespmem:s14], [sflag:$0x2] =	stream.indirect.gather [hbm4b:s4+s12], $0x40, s7, s12, $0xb8;
	v63 =	vld [tilespmem:$0x0]  }
0x7b: {  	_ =	swait.ge [sflag:s31], $0x2000  }
0x7c: {  	[sflag:s31] =	ssyncset.done $0x0  }
0x7d: {  	s7 =	sadd.s32 $0x400, s6;
	[sflag:s31] =	ssyncadd.s32 $0xFFFFE000  }
0x7e: {  	[tilespmem:s16], [sflag:$0x3] =	stream.indirect.gather [hbm4b:s4+s12], $0x40, s7, s12, $0xb8;
	v63 =	vld [tilespmem:$0x0]  }
0x7f: {  	_ =	swait.ge [sflag:s1], $0x2000  }
0x80: {  	[sflag:s1] =	ssyncset.done $0x0  }
0x81: {  	[sflag:s1] =	ssyncadd.s32 $0xFFFFE000  }
0x82: {  	_ =	swait.ge [sflag:s0], $0x2000  }
0x83: {  	[sflag:s0] =	ssyncset.done $0x0  }
0x84: {  	[sflag:s0] =	ssyncadd.s32 $0xFFFFE000  }
0x85: {  	_ =	swait.ge [sflag:s11], $0x2000  }
0x86: {  	[sflag:s11] =	ssyncset.done $0x0  }
0x87: {  	s7 =	sadd.s32 $0x5280, s6;
	[sflag:s11] =	ssyncadd.s32 $0xFFFFE000  }
0x88: {  	[spmem:s2] =	stream.indirect.scatter.add.f32 [tilespmem:s18], [sflag:$0xA], $0x40, s7, s12, $0xb8;
	v63 =	vld [tilespmem:$0x0]  }
0x89: {  	s7 =	sadd.s32 $0x5300, s6  }
0x8a: {  	[spmem:s2] =	stream.indirect.scatter.add.f32 [tilespmem:s20], [sflag:$0xB], $0x40, s7, s12, $0xb8;
	v63 =	vld [tilespmem:$0x0]  }
0x8b: {  	s7 =	sadd.s32 $0x5380, s6  }
0x8c: {  	[spmem:s2] =	stream.indirect.scatter.add.f32 [tilespmem:s22], [sflag:$0xC], $0x40, s7, s12, $0xb8;
	v63 =	vld [tilespmem:$0x0]  }
0x8d: {  	_ =	swait.ge [sflag:s15], $0x2000  }
0x8e: {  	[sflag:s15] =	ssyncset.done $0x0  }
0x8f: {  	s7 =	sadd.s32 $0x480, s6;
	[sflag:s15] =	ssyncadd.s32 $0xFFFFE000  }
0x90: {  	[tilespmem:s18], [sflag:$0x4] =	stream.indirect.gather [hbm4b:s4+s12], $0x40, s7, s12, $0xb8;
	v63 =	vld [tilespmem:$0x0]  }
0x91: {  	_ =	swait.ge [sflag:s17], $0x2000  }
0x92: {  	[sflag:s17] =	ssyncset.done $0x0  }
.Ltmp0:
0x93: {  	s7 =	sadd.s32 $0x500, s6;
	[sflag:s17] =	ssyncadd.s32 $0xFFFFE000;
	(pc) =	sbr.rel @p0 .LBB2_2-.Ltmp0, $4  }
0x94: {  	[tilespmem:s20], [sflag:$0x5] =	stream.indirect.gather [hbm4b:s4+s12], $0x40, s7, s12, $0xb8;
	v63 =	vld [tilespmem:$0x0]  }
0x95: {  	_ =	swait.ge [sflag:s19], $0x2000  }
0x96: {  	[sflag:s19] =	ssyncset.done $0x0  }
0x97: {  	s6 =	sadd.s32 $0x580, s6;
	[sflag:s19] =	ssyncadd.s32 $0xFFFFE000  }
0x98: {  	[tilespmem:s22], [sflag:$0x6] =	stream.indirect.gather [hbm4b:s4+s12], $0x40, s6, s12, $0xb8;
	v63 =	vld [tilespmem:$0x0]  }
0x99: {  	_ =	swait.ge [sflag:s25], $0x2000  }
0x9a: {  	[sflag:s25] =	ssyncset.done $0x0  }
0x9b: {  	[sflag:s25] =	ssyncadd.s32 $0xFFFFE000  }
0x9c: {  	_ =	swait.ge [sflag:s26], $0x2000  }
0x9d: {  	[sflag:s26] =	ssyncset.done $0x0  }
0x9e: {  	[sflag:s26] =	ssyncadd.s32 $0xFFFFE000  }
0x9f: {  	_ =	swait.ge [sflag:s28], $0x2000  }
0xa0: {  	[sflag:s28] =	ssyncset.done $0x0  }
0xa1: {  	s5 =	simm.s32 $0x9F00;
	[sflag:s28] =	ssyncadd.s32 $0xFFFFE000  }
0xa2: {  	[spmem:s2] =	stream.indirect.scatter.add.f32 [tilespmem:s13], [sflag:$0x7], $0x40, s5, s12, $0xb8;
	v63 =	vld [tilespmem:$0x0]  }
0xa3: {  	s7 =	simm.s32 $0x9F80  }
0xa4: {  	[spmem:s2] =	stream.indirect.scatter.add.f32 [tilespmem:s14], [sflag:$0x8], $0x40, s7, s12, $0xb8;
	v63 =	vld [tilespmem:$0x0]  }
0xa5: {  	s6 =	simm.s32 $0xA000  }
0xa6: {  	[spmem:s2] =	stream.indirect.scatter.add.f32 [tilespmem:s16], [sflag:$0x9], $0x40, s6, s12, $0xb8;
	v63 =	vld [tilespmem:$0x0]  }
0xa7: {  	_ =	swait.ge [sflag:s29], $0x2000  }
0xa8: {  	[sflag:s29] =	ssyncset.done $0x0  }
0xa9: {  	[sflag:s29] =	ssyncadd.s32 $0xFFFFE000  }
0xaa: {  	_ =	swait.ge [sflag:s30], $0x2000  }
0xab: {  	[sflag:s30] =	ssyncset.done $0x0  }
0xac: {  	[sflag:s30] =	ssyncadd.s32 $0xFFFFE000  }
0xad: {  	_ =	swait.ge [sflag:s31], $0x2000  }
0xae: {  	[sflag:s31] =	ssyncset.done $0x0  }
0xaf: {  	[sflag:s31] =	ssyncadd.s32 $0xFFFFE000  }
0xb0: {  	_ =	swait.ge [sflag:s1], $0x2000  }
0xb1: {  	[sflag:s1] =	ssyncset.done $0x0  }
0xb2: {  	[sflag:s1] =	ssyncadd.s32 $0xFFFFE000  }
0xb3: {  	_ =	swait.ge [sflag:s0], $0x2000  }
0xb4: {  	[sflag:s0] =	ssyncset.done $0x0  }
0xb5: {  	[sflag:s0] =	ssyncadd.s32 $0xFFFFE000  }
0xb6: {  	_ =	swait.ge [sflag:s11], $0x2000  }
0xb7: {  	[sflag:s11] =	ssyncset.done $0x0  }
0xb8: {  	s7 =	simm.s32 $0xA080;
	[sflag:s11] =	ssyncadd.s32 $0xFFFFE000  }
0xb9: {  	[spmem:s2] =	stream.indirect.scatter.add.f32 [tilespmem:s18], [sflag:$0xA], $0x40, s7, s12, $0xb8;
	v63 =	vld [tilespmem:$0x0]  }
0xba: {  	s6 =	simm.s32 $0xA100  }
0xbb: {  	[spmem:s2] =	stream.indirect.scatter.add.f32 [tilespmem:s20], [sflag:$0xB], $0x40, s6, s12, $0xb8;
	v63 =	vld [tilespmem:$0x0]  }
0xbc: {  	s7 =	simm.s32 $0xA180  }
0xbd: {  	[spmem:s2] =	stream.indirect.scatter.add.f32 [tilespmem:s22], [sflag:$0xC], $0x40, s7, s12, $0xb8;
	v63 =	vld [tilespmem:$0x0]  }
0xbe: {  	_ =	swait.ge [sflag:s15], $0x2000  }
0xbf: {  	[sflag:s15] =	ssyncset.done $0x0  }
0xc0: {  	[sflag:s15] =	ssyncadd.s32 $0xFFFFE000  }
0xc1: {  	_ =	swait.ge [sflag:s17], $0x2000  }
0xc2: {  	[sflag:s17] =	ssyncset.done $0x0  }
0xc3: {  	[sflag:s17] =	ssyncadd.s32 $0xFFFFE000  }
0xc4: {  	_ =	swait.ge [sflag:s19], $0x2000  }
0xc5: {  	s21 =	sadd.s32 $0x1, s21;
	[sflag:s19] =	ssyncset.done $0x0  }
0xc6: {  	p0 =	sne.s32 s21, s9;
	[sflag:s19] =	ssyncadd.s32 $0xFFFFE000  }
.Ltmp1:
0xc7: {  	[bflag:$0x0] =	sbarrier.arrive $0xFFFF;
	(pc) =	sbr.rel @p0 .LBB2_1-.Ltmp1, $4  }
0xc8: {  	[hbm:s8], [sflag:s23] =	dma.local [spmem:s24], $0x13B8  }
0xc9: {  	_ =	swait.ge [sflag:s10], $0x13B8  }
0xca: {  	[sflag:s10] =	ssyncset.done $0x0  }
0xcb: {  	[sflag:s10] =	ssyncadd.s32 $0xFFFFEC48  }
0xcc: {  	_ =	sfence.sel $0x180000  }
0xcd: {  	[bflag:$0x0] =	sbarrier.arrive $0xFFFF  }
0xce: {  	_ =	strace $0x9000004A  }
0xcf: {  	s0 =	stileid.u32;
	[bflag:$0x2] =	sbarrier.arrive $0xFFFF  }
0xd0: {  	p0 =	sne.s32 s0, $0x0;
	s0 =	rddreg [dreg:$0x2]  }
0xd1: {  	s0 =	sadd.s32 @!p0 $0x100000, s0  }
0xd2: {  	[sflag:s0] =	ssyncadd.tile.s32 @!p0 $0x1;
	_ =	shalt  }
.Lfunc_end2:
_tile_overlayer_lowered:
.L_overlay_start_2:
0xd3: {  	(tag) =	ssettag $0x2  }
0xd4: {  	s0 =	rddreg [dreg:$0x0];
	s2 =	stileid.u32  }
0xd5: {  	s1 =	rddreg [dreg:$0x1];
	p0 =	sne.s32 s2, $0x0  }
0xd6: {  	s3 =	rddreg [dreg:$0x2];
	[bflag:$0x3] =	sbarrier.arrive $0xFFFF;
	s2 =	simm.s32 @!p0 $0x1C0D  }
0xd7: {  	[timem:s3], [sflag:s2] =	dma.local @!p0 [hbm:s0], s1  }
0xd8: {  	s0 =	simm.s32 @!p0 $0xD  }
0xd9: {  	_ =	swait.ge @!p0 [sflag:s0], s1  }
0xda: {  	s1 =	ssub.s32 @!p0 $0x0, s1;
	[sflag:s0] =	ssyncset.done @!p0 $0x0  }
0xdb: {  	[sflag:s0] =	ssyncadd.s32 @!p0 s1  }
0xdc: {  	[bflag:$0x3] =	sbarrier.arrive $0xFFFF  }
0xdd: {  	_ =	shalt  }

</sc_bundles>
